<compile_context>
chip_gen: v7x
topology: tpu7x:2x2x1
jax: 0.10.2.dev20260603
libtpu: 0.0.44.dev20260713+nightly
codegen_flags: <defaults>
</compile_context>

<pallas_src>
import functools

import jax
import jax.numpy as jnp
from jax import lax
from jax.experimental import pallas as pl
from jax.experimental.pallas import tpu as pltpu
from jax.experimental.pallas import tpu_sc as plsc

N = 10000
E = 320000
HID = 32
NW = 32
EPW = E // NW
CH = 125
NG = 80
NPAD = N + 112
RPS = NPAD // 16

def _deg_body(dst_g, ones_hbm, zeros_hbm, deg_out, idx_v, ones_v, zstage_v, acc):
    cid = lax.axis_index("c")
    sid = lax.axis_index("s")
    wid = sid * 2 + cid
    pltpu.sync_copy(dst_g.at[wid], idx_v)
    pltpu.sync_copy(ones_hbm, ones_v)

    @pl.when(sid == 0)
    def _():
        pltpu.sync_copy(zeros_hbm, zstage_v)
        pltpu.sync_copy(zstage_v, acc)

    plsc.subcore_barrier()

    @pl.loop(0, NG)
    def _(j):
        pltpu.sync_copy(ones_v, acc.at[idx_v.at[j]], add=True)

    plsc.subcore_barrier()

    @pl.when(sid == 0)
    def _():
        pltpu.sync_copy(acc, deg_out.at[cid])


def _agg_body(src_g, dst_g, hp_hbm, zeros_hbm, agg_out,
              sidx_v, didx_v, rows0_v, rows1_v, zbuf_v, acc, sem0, sem1):
    cid = lax.axis_index("c")
    sid = lax.axis_index("s")
    wid = sid * 2 + cid
    pltpu.sync_copy(src_g.at[wid], sidx_v)
    pltpu.sync_copy(dst_g.at[wid], didx_v)
    pltpu.sync_copy(zeros_hbm, zbuf_v)
    pltpu.sync_copy(zbuf_v, acc.at[pl.ds(sid * RPS, RPS)])
    plsc.subcore_barrier()

    pltpu.async_copy(hp_hbm.at[sidx_v.at[0]], rows0_v, sem0)

    @pl.loop(0, NG - 1)
    def _(j):
        odd = lax.rem(j, 2)

        @pl.when(odd == 0)
        def _():
            pltpu.async_copy(hp_hbm.at[sidx_v.at[j + 1]], rows1_v, sem1)
            pltpu.make_async_copy(hp_hbm.at[sidx_v.at[j]], rows0_v, sem0).wait()
            pltpu.sync_copy(rows0_v, acc.at[didx_v.at[j]], add=True)

        @pl.when(odd == 1)
        def _():
            pltpu.async_copy(hp_hbm.at[sidx_v.at[j + 1]], rows0_v, sem0)
            pltpu.make_async_copy(hp_hbm.at[sidx_v.at[j]], rows1_v, sem1).wait()
            pltpu.sync_copy(rows1_v, acc.at[didx_v.at[j]], add=True)

    pltpu.make_async_copy(hp_hbm.at[sidx_v.at[NG - 1]], rows1_v, sem1).wait()
    pltpu.sync_copy(rows1_v, acc.at[didx_v.at[NG - 1]], add=True)

    plsc.subcore_barrier()
    pltpu.sync_copy(acc.at[pl.ds(sid * RPS, RPS)],
                    agg_out.at[cid, pl.ds(sid * RPS, RPS)])


@functools.cache
def _sc_kernels():
    mesh = plsc.VectorSubcoreMesh(core_axis_name="c", subcore_axis_name="s",
                                  num_cores=2, num_subcores=16)
    params = pltpu.CompilerParams(use_tc_tiling_on_sc=False)
    deg = pl.kernel(
        _deg_body,
        out_type=jax.ShapeDtypeStruct((2, NPAD), jnp.float32),
        mesh=mesh,
        compiler_params=params,
        scratch_types=[
            pltpu.VMEM((NG, CH), jnp.int32),
            pltpu.VMEM((CH,), jnp.float32),
            pltpu.VMEM((NPAD,), jnp.float32),
            pltpu.VMEM_SHARED((NPAD,), jnp.float32),
        ],
    )
    agg = pl.kernel(
        _agg_body,
        out_type=jax.ShapeDtypeStruct((2, NPAD, HID), jnp.float32),
        mesh=mesh,
        compiler_params=params,
        scratch_types=[
            pltpu.VMEM((NG, CH), jnp.int32),
            pltpu.VMEM((NG, CH), jnp.int32),
            pltpu.VMEM((CH, HID), jnp.float32),
            pltpu.VMEM((CH, HID), jnp.float32),
            pltpu.VMEM((RPS, HID), jnp.float32),
            pltpu.VMEM_SHARED((NPAD, HID), jnp.float32),
            pltpu.SemaphoreType.DMA,
            pltpu.SemaphoreType.DMA,
        ],
    )
    return deg, agg


def _enc_body(obs_ref, act_ref, degT_ref, w1a, w1b, b1, w2, b2, wg,
              x_out, hp_out, dinv_out):
    f32 = jnp.float32
    x1 = jnp.dot(obs_ref[...], w1a[...], preferred_element_type=f32)
    x1 = x1 + jnp.dot(act_ref[...], w1b[...], preferred_element_type=f32)
    x1 = jnp.maximum(x1 + b1[...], 0.0)
    x = jnp.maximum(jnp.dot(x1, w2[...], preferred_element_type=f32) + b2[...], 0.0)
    x_out[...] = x
    h = jnp.dot(x, wg[...], preferred_element_type=f32)
    d = degT_ref[...]
    deg = d[:, 0:1] + d[:, 1:2] + 1.0
    dinv = lax.rsqrt(deg)
    dinv_out[...] = dinv
    hp_out[...] = h * dinv


def _enc(obs, act, degT, w1a, w1b, b1, w2, b2, wg):
    return pl.pallas_call(
        _enc_body,
        out_shape=[
            jax.ShapeDtypeStruct((N, HID), jnp.float32),
            jax.ShapeDtypeStruct((N, HID), jnp.float32),
            jax.ShapeDtypeStruct((N, 1), jnp.float32),
        ],
    )(obs, act, degT, w1a, w1b, b1, w2, b2, wg)


def _post_body(a0, a1, hp, dinv, bg, wd, bd, x, wp1a, wp1b, bp1, wp2, bp2, out):
    f32 = jnp.float32
    agg = a0[...] + a1[...] + hp[...]
    xg = jnp.maximum(agg * dinv[...] + bg[...], 0.0)
    xg = jnp.maximum(jnp.dot(xg, wd[...], preferred_element_type=f32) + bd[...], 0.0)
    xp = jnp.dot(xg, wp1a[...], preferred_element_type=f32)
    xp = xp + jnp.dot(x[...], wp1b[...], preferred_element_type=f32)
    xp = jnp.maximum(xp + bp1[...], 0.0)
    xp = jnp.maximum(jnp.dot(xp, wp2[...], preferred_element_type=f32) + bp2[...], 0.0)
    out[...] = xp


def _post(a0, a1, hp, dinv, bg, wd, bd, x, wp1a, wp1b, bp1, wp2, bp2):
    return pl.pallas_call(
        _post_body,
        out_shape=jax.ShapeDtypeStruct((N, HID), jnp.float32),
    )(a0, a1, hp, dinv, bg, wd, bd, x, wp1a, wp1b, bp1, wp2, bp2)


_VBLK = 32000
_VGRID = (N * HID) // _VBLK


def _value_body(vec_ref, wv1t_ref, bv1_ref, wv2_ref, bv2_ref, out_ref, acc_ref):
    k = pl.program_id(0)

    @pl.when(k == 0)
    def _():
        acc_ref[...] = jnp.zeros_like(acc_ref)

    acc_ref[...] += lax.dot_general(
        vec_ref[...], wv1t_ref[...],
        dimension_numbers=(((1,), (1,)), ((), ())),
        preferred_element_type=jnp.float32)

    @pl.when(k == _VGRID - 1)
    def _():
        v = jnp.maximum(acc_ref[...] + bv1_ref[...], 0.0)
        out_ref[...] = jnp.dot(v, wv2_ref[...],
                               preferred_element_type=jnp.float32) + bv2_ref[...]


def _value(vec, wv1t, bv1, wv2, bv2):
    return pl.pallas_call(
        _value_body,
        grid=(_VGRID,),
        in_specs=[
            pl.BlockSpec((1, _VBLK), lambda k: (0, k)),
            pl.BlockSpec((64, _VBLK), lambda k: (0, k)),
            pl.BlockSpec((1, 64), lambda k: (0, 0)),
            pl.BlockSpec((64, 1), lambda k: (0, 0)),
            pl.BlockSpec((1, 1), lambda k: (0, 0)),
        ],
        out_specs=pl.BlockSpec((1, 1), lambda k: (0, 0)),
        out_shape=jax.ShapeDtypeStruct((1, 1), jnp.float32),
        scratch_shapes=[pltpu.VMEM((1, 64), jnp.float32)],
    )(vec, wv1t, bv1, wv2, bv2)


def kernel(observation, action, edge_index, We1, be1, We2, be2, Wg, bg,
           Wd, bd, Wp1, bp1, Wp2, bp2, Wv1, bv1, Wv2, bv2):
    obs = observation.reshape(N, -1)
    act = action.reshape(N, -1)
    er = edge_index.astype(jnp.int32).reshape(2, NW, NG, CH)
    src_g = er[0]
    dst_g = er[1]

    ones_ch = jnp.ones((CH,), jnp.float32)
    zeros_n = jnp.zeros((NPAD,), jnp.float32)
    zeros_rows = jnp.zeros((RPS, HID), jnp.float32)

    _deg, _agg = _sc_kernels()
    deg2 = _deg(dst_g, ones_ch, zeros_n)
    degT = jnp.transpose(deg2[:, :N])
    X, hp, dinv = _enc(obs, act, degT, We1[:128], We1[128:],
                       be1.reshape(1, -1), We2, be2.reshape(1, -1), Wg)

    agg2 = _agg(src_g, dst_g, hp, zeros_rows)

    xp2 = _post(agg2[0, :N], agg2[1, :N], hp, dinv, bg.reshape(1, -1),
                Wd, bd.reshape(1, -1), X, Wp1[:HID], Wp1[HID:],
                bp1.reshape(1, -1), Wp2, bp2.reshape(1, -1))
    vec = xp2.reshape(1, N * HID)
    out = _value(vec, Wv1.T, bv1.reshape(1, -1), Wv2, bv2.reshape(1, 1))
    return out.reshape(1)

# --- scband reference (transcript-rebuilt; emitter-appended) ---
"""Pipeline reference for scband-graph-critic-model-54305566491363 (READ-ONLY COPY).

The authoritative reference and input builder live on the scoring server;
editing this copy changes nothing except your own understanding.
"""

import jax, jax.numpy as jnp
import numpy as np

N_NODES = 10000
F_DIM = 128
A_DIM = 4
N_EDGES = 320000
HID = 32


def gcn_conv(x, edge_index, W, b, n_nodes):
    # PyG GCNConv with default add_self_loops=True, normalize=True
    src = edge_index[0]
    dst = edge_index[1]
    loop = jnp.arange(n_nodes, dtype=src.dtype)
    src = jnp.concatenate([src, loop])
    dst = jnp.concatenate([dst, loop])
    deg = jnp.zeros((n_nodes,), x.dtype).at[dst].add(1.0)
    dinv = jnp.where(deg > 0, deg ** -0.5, 0.0)
    norm = dinv[src] * dinv[dst]
    h = x @ W
    msg = h[src] * norm[:, None]
    out = jnp.zeros((n_nodes, h.shape[1]), x.dtype).at[dst].add(msg)
    return out + b


def setup_inputs(seed: int = 0) -> dict:
    key = jax.random.key(seed)
    ks = jax.random.split(key, 24)
    s = 0.05
    inp = {}
    inp["observation"] = jax.random.normal(ks[0], (N_NODES, F_DIM), jnp.float32)
    inp["action"] = jax.random.normal(ks[1], (N_NODES, A_DIM), jnp.float32)
    inp["edge_index"] = jax.random.randint(ks[2], (2, N_EDGES), 0, N_NODES)
    # learned parameters (stored as [in, out]; y = x @ W + b)
    inp["We1"] = jax.random.normal(ks[3], (F_DIM + A_DIM, HID), jnp.float32) * s
    inp["be1"] = jnp.zeros((HID,), jnp.float32)
    inp["We2"] = jax.random.normal(ks[4], (HID, HID), jnp.float32) * s
    inp["be2"] = jnp.zeros((HID,), jnp.float32)
    inp["Wg"] = jax.random.normal(ks[5], (HID, HID), jnp.float32) * s
    inp["bg"] = jnp.zeros((HID,), jnp.float32)
    inp["Wd"] = jax.random.normal(ks[6], (HID, HID), jnp.float32) * s
    inp["bd"] = jnp.zeros((HID,), jnp.float32)
    inp["Wp1"] = jax.random.normal(ks[7], (2 * HID, HID), jnp.float32) * s
    inp["bp1"] = jnp.zeros((HID,), jnp.float32)
    inp["Wp2"] = jax.random.normal(ks[8], (HID, HID), jnp.float32) * s
    inp["bp2"] = jnp.zeros((HID,), jnp.float32)
    inp["Wv1"] = jax.random.normal(ks[9], (HID * N_NODES, 64), jnp.float32) * 0.002
    inp["bv1"] = jnp.zeros((64,), jnp.float32)
    inp["Wv2"] = jax.random.normal(ks[10], (64, 1), jnp.float32) * s
    inp["bv2"] = jnp.zeros((1,), jnp.float32)
    return inp


def reference(observation, action, edge_index, We1, be1, We2, be2, Wg, bg, Wd, bd, Wp1, bp1, Wp2, bp2, Wv1, bv1, Wv2, bv2):
    n = N_NODES
    X_in = jnp.concatenate([observation.reshape(n, -1), action.reshape(n, -1)], axis=1)
    X = jax.nn.relu(X_in @ We1 + be1)
    X = jax.nn.relu(X @ We2 + be2)
    X_graph = jax.nn.relu(gcn_conv(X, edge_index, Wg, bg, n))
    X_graph = jax.nn.relu(X_graph @ Wd + bd)
    F_concat = jnp.concatenate([X_graph, X], axis=1)
    X_policy = jax.nn.relu(F_concat @ Wp1 + bp1)
    X_policy = jax.nn.relu(X_policy @ Wp2 + bp2)
    V = jax.nn.relu(X_policy.reshape(-1) @ Wv1 + bv1)
    V = V @ Wv2 + bv2
    return V

if __name__ == "__main__":
    import jax
    _d = setup_inputs()
    print(jax.jit(kernel)(*tuple(_d.values())))

</pallas_src>

<mosaic_0001>
#map = affine_map<(d0, d1) -> (0, 0, 0)>
#map1 = affine_map<(d0, d1) -> (0, 0)>
module attributes {stable_mosaic.version = 14 : i64} {
  func.func @_agg_body(%arg0: i32, %arg1: i32, %arg2: memref<32x80x125xi32, #tpu.memory_space<hbm>>, %arg3: memref<32x80x125xi32, #tpu.memory_space<hbm>>, %arg4: memref<10000x32xf32, #tpu.memory_space<hbm>>, %arg5: memref<632x32xf32, #tpu.memory_space<hbm>>, %arg6: memref<2x10112x32xf32, #tpu.memory_space<hbm>>, %arg7: memref<80x125xi32, #tpu.memory_space<vmem>>, %arg8: memref<80x125xi32, #tpu.memory_space<vmem>>, %arg9: memref<125x32xf32, #tpu.memory_space<vmem>>, %arg10: memref<125x32xf32, #tpu.memory_space<vmem>>, %arg11: memref<632x32xf32, #tpu.memory_space<vmem>>, %arg12: memref<10112x32xf32, #tpu.memory_space<vmem_shared>>, %arg13: memref<!tpu.dma_semaphore, #tpu.memory_space<semaphore_mem>>, %arg14: memref<!tpu.dma_semaphore, #tpu.memory_space<semaphore_mem>>) attributes {dimension_semantics = [#tpu.dimension_semantics<core_parallel>, #tpu.dimension_semantics<subcore_parallel>], iteration_bounds = array<i64: 2, 16>, scalar_prefetch = 0 : i64, scratch_operands = 8 : i64, tpu.core_type = #tpu.core_type<sc_vector_subcore>, window_params = [{transform_indices = #map}, {transform_indices = #map}, {transform_indices = #map1}, {transform_indices = #map1}, {transform_indices = #map}]} {
    %mul3A = arith.constant 2 : i32
    %mul3A_0 = arith.muli %arg1, %mul3A : i32
    %add3A = arith.addi %mul3A_0, %arg0 : i32
    "tpu.region"() ({
      %run_scoped3A_24 = tpu.sem_alloc : memref<!tpu.dma_semaphore, #tpu.memory_space<semaphore_mem>>
      %dma_start3A_25 = arith.constant 0 : i32
      %dma_start3A_26 = arith.constant 0 : i32
      %dma_start3A_27 = tpu.memref_slice %arg2[%add3A, %dma_start3A_25, %dma_start3A_26] : memref<32x80x125xi32, #tpu.memory_space<hbm>> -> memref<1x80x125xi32, #tpu.memory_space<hbm>>
      %dma_start3A_28 = tpu.memref_squeeze %dma_start3A_27 : memref<1x80x125xi32, #tpu.memory_space<hbm>> -> memref<80x125xi32, #tpu.memory_space<hbm>>
      %dma_start3A_29 = arith.constant 0 : i32
      %dma_start3A_30 = arith.constant 0 : i32
      %dma_start3A_31 = tpu.memref_slice %arg2[%add3A, %dma_start3A_29, %dma_start3A_30] : memref<32x80x125xi32, #tpu.memory_space<hbm>> -> memref<1x80x125xi32, #tpu.memory_space<hbm>>
      %dma_start3A_32 = tpu.memref_squeeze %dma_start3A_31 : memref<1x80x125xi32, #tpu.memory_space<hbm>> -> memref<80x125xi32, #tpu.memory_space<hbm>>
      tpu.enqueue_dma source(%dma_start3A_32 : memref<80x125xi32, #tpu.memory_space<hbm>>) target(%arg7 : memref<80x125xi32, #tpu.memory_space<vmem>>) target_semaphore(%run_scoped3A_24 : memref<!tpu.dma_semaphore, #tpu.memory_space<semaphore_mem>>)
      %dma_wait3A_33 = arith.constant 0 : i32
      %dma_wait3A_34 = arith.constant 0 : i32
      %dma_wait3A_35 = tpu.memref_slice %arg2[%add3A, %dma_wait3A_33, %dma_wait3A_34] : memref<32x80x125xi32, #tpu.memory_space<hbm>> -> memref<1x80x125xi32, #tpu.memory_space<hbm>>
      %dma_wait3A_36 = tpu.memref_squeeze %dma_wait3A_35 : memref<1x80x125xi32, #tpu.memory_space<hbm>> -> memref<80x125xi32, #tpu.memory_space<hbm>>
      %dma_wait3A_37 = arith.constant 0 : i32
      %dma_wait3A_38 = arith.constant 0 : i32
      %dma_wait3A_39 = tpu.memref_slice %arg2[%add3A, %dma_wait3A_37, %dma_wait3A_38] : memref<32x80x125xi32, #tpu.memory_space<hbm>> -> memref<1x80x125xi32, #tpu.memory_space<hbm>>
      %dma_wait3A_40 = tpu.memref_squeeze %dma_wait3A_39 : memref<1x80x125xi32, #tpu.memory_space<hbm>> -> memref<80x125xi32, #tpu.memory_space<hbm>>
      tpu.wait_dma2 semaphore(%run_scoped3A_24 : memref<!tpu.dma_semaphore, #tpu.memory_space<semaphore_mem>>) src(%dma_wait3A_40 : memref<80x125xi32, #tpu.memory_space<hbm>>) dst(%arg7 : memref<80x125xi32, #tpu.memory_space<vmem>>)
      tpu.yield
    }) : () -> ()
    "tpu.region"() ({
      %run_scoped3A_24 = tpu.sem_alloc : memref<!tpu.dma_semaphore, #tpu.memory_space<semaphore_mem>>
      %dma_start3A_25 = arith.constant 0 : i32
      %dma_start3A_26 = arith.constant 0 : i32
      %dma_start3A_27 = tpu.memref_slice %arg3[%add3A, %dma_start3A_25, %dma_start3A_26] : memref<32x80x125xi32, #tpu.memory_space<hbm>> -> memref<1x80x125xi32, #tpu.memory_space<hbm>>
      %dma_start3A_28 = tpu.memref_squeeze %dma_start3A_27 : memref<1x80x125xi32, #tpu.memory_space<hbm>> -> memref<80x125xi32, #tpu.memory_space<hbm>>
      %dma_start3A_29 = arith.constant 0 : i32
      %dma_start3A_30 = arith.constant 0 : i32
      %dma_start3A_31 = tpu.memref_slice %arg3[%add3A, %dma_start3A_29, %dma_start3A_30] : memref<32x80x125xi32, #tpu.memory_space<hbm>> -> memref<1x80x125xi32, #tpu.memory_space<hbm>>
      %dma_start3A_32 = tpu.memref_squeeze %dma_start3A_31 : memref<1x80x125xi32, #tpu.memory_space<hbm>> -> memref<80x125xi32, #tpu.memory_space<hbm>>
      tpu.enqueue_dma source(%dma_start3A_32 : memref<80x125xi32, #tpu.memory_space<hbm>>) target(%arg8 : memref<80x125xi32, #tpu.memory_space<vmem>>) target_semaphore(%run_scoped3A_24 : memref<!tpu.dma_semaphore, #tpu.memory_space<semaphore_mem>>)
      %dma_wait3A_33 = arith.constant 0 : i32
      %dma_wait3A_34 = arith.constant 0 : i32
      %dma_wait3A_35 = tpu.memref_slice %arg3[%add3A, %dma_wait3A_33, %dma_wait3A_34] : memref<32x80x125xi32, #tpu.memory_space<hbm>> -> memref<1x80x125xi32, #tpu.memory_space<hbm>>
      %dma_wait3A_36 = tpu.memref_squeeze %dma_wait3A_35 : memref<1x80x125xi32, #tpu.memory_space<hbm>> -> memref<80x125xi32, #tpu.memory_space<hbm>>
      %dma_wait3A_37 = arith.constant 0 : i32
      %dma_wait3A_38 = arith.constant 0 : i32
      %dma_wait3A_39 = tpu.memref_slice %arg3[%add3A, %dma_wait3A_37, %dma_wait3A_38] : memref<32x80x125xi32, #tpu.memory_space<hbm>> -> memref<1x80x125xi32, #tpu.memory_space<hbm>>
      %dma_wait3A_40 = tpu.memref_squeeze %dma_wait3A_39 : memref<1x80x125xi32, #tpu.memory_space<hbm>> -> memref<80x125xi32, #tpu.memory_space<hbm>>
      tpu.wait_dma2 semaphore(%run_scoped3A_24 : memref<!tpu.dma_semaphore, #tpu.memory_space<semaphore_mem>>) src(%dma_wait3A_40 : memref<80x125xi32, #tpu.memory_space<hbm>>) dst(%arg8 : memref<80x125xi32, #tpu.memory_space<vmem>>)
      tpu.yield
    }) : () -> ()
    "tpu.region"() ({
      %run_scoped3A_24 = tpu.sem_alloc : memref<!tpu.dma_semaphore, #tpu.memory_space<semaphore_mem>>
      tpu.enqueue_dma source(%arg5 : memref<632x32xf32, #tpu.memory_space<hbm>>) target(%arg11 : memref<632x32xf32, #tpu.memory_space<vmem>>) target_semaphore(%run_scoped3A_24 : memref<!tpu.dma_semaphore, #tpu.memory_space<semaphore_mem>>)
      tpu.wait_dma2 semaphore(%run_scoped3A_24 : memref<!tpu.dma_semaphore, #tpu.memory_space<semaphore_mem>>) src(%arg5 : memref<632x32xf32, #tpu.memory_space<hbm>>) dst(%arg11 : memref<632x32xf32, #tpu.memory_space<vmem>>)
      tpu.yield
    }) : () -> ()
    %mul3A_1 = arith.constant 632 : i32
    %mul3A_2 = arith.muli %arg1, %mul3A_1 : i32
    "tpu.region"() ({
      %run_scoped3A_24 = tpu.sem_alloc : memref<!tpu.dma_semaphore, #tpu.memory_space<semaphore_mem>>
      %dma_start3A_25 = arith.constant 0 : i32
      %dma_start3A_26 = tpu.memref_slice %arg12[%mul3A_2, %dma_start3A_25] : memref<10112x32xf32, #tpu.memory_space<vmem_shared>> -> memref<632x32xf32, #tpu.memory_space<vmem_shared>>
      %dma_start3A_27 = arith.constant 0 : i32
      %dma_start3A_28 = tpu.memref_slice %arg12[%mul3A_2, %dma_start3A_27] : memref<10112x32xf32, #tpu.memory_space<vmem_shared>> -> memref<632x32xf32, #tpu.memory_space<vmem_shared>>
      tpu.enqueue_dma source(%arg11 : memref<632x32xf32, #tpu.memory_space<vmem>>) target(%dma_start3A_28 : memref<632x32xf32, #tpu.memory_space<vmem_shared>>) target_semaphore(%run_scoped3A_24 : memref<!tpu.dma_semaphore, #tpu.memory_space<semaphore_mem>>)
      %dma_wait3A_29 = arith.constant 0 : i32
      %dma_wait3A_30 = tpu.memref_slice %arg12[%mul3A_2, %dma_wait3A_29] : memref<10112x32xf32, #tpu.memory_space<vmem_shared>> -> memref<632x32xf32, #tpu.memory_space<vmem_shared>>
      %dma_wait3A_31 = arith.constant 0 : i32
      %dma_wait3A_32 = tpu.memref_slice %arg12[%mul3A_2, %dma_wait3A_31] : memref<10112x32xf32, #tpu.memory_space<vmem_shared>> -> memref<632x32xf32, #tpu.memory_space<vmem_shared>>
      tpu.wait_dma2 semaphore(%run_scoped3A_24 : memref<!tpu.dma_semaphore, #tpu.memory_space<semaphore_mem>>) src(%arg11 : memref<632x32xf32, #tpu.memory_space<vmem>>) dst(%dma_wait3A_32 : memref<632x32xf32, #tpu.memory_space<vmem_shared>>)
      tpu.yield
    }) : () -> ()
    %barrier3A = arith.constant 0 : index
    tpu.barrier barrier_id(%barrier3A)
    %dma_start3A = arith.constant 0 : i32
    %dma_start3A_3 = arith.constant 0 : i32
    %dma_start3A_4 = tpu.memref_slice %arg7[%dma_start3A, %dma_start3A_3] : memref<80x125xi32, #tpu.memory_space<vmem>> -> memref<1x125xi32, #tpu.memory_space<vmem>>
    %dma_start3A_5 = tpu.memref_squeeze %dma_start3A_4 : memref<1x125xi32, #tpu.memory_space<vmem>> -> memref<125xi32, #tpu.memory_space<vmem>>
    %dma_start3A_6 = arith.constant 0 : i32
    %dma_start3A_7 = arith.constant 0 : i32
    %dma_start3A_8 = tpu.memref_slice %arg4[%dma_start3A_6, %dma_start3A_7] : memref<10000x32xf32, #tpu.memory_space<hbm>> -> memref<10000x32xf32, #tpu.memory_space<hbm>>
    tpu.enqueue_indirect_dma source(%dma_start3A_8 : memref<10000x32xf32, #tpu.memory_space<hbm>>) target(%arg9 : memref<125x32xf32, #tpu.memory_space<vmem>>) offsets(%dma_start3A_5 : memref<125xi32, #tpu.memory_space<vmem>>) semaphore(%arg13 : memref<!tpu.dma_semaphore, #tpu.memory_space<semaphore_mem>>)
    %scan3A = arith.constant 0 : i32
    %scan3A_9 = arith.constant 79 : i32
    %scan3A_10 = arith.addi %scan3A, %scan3A_9 : i32
    %scan3A_11 = arith.constant 1 : i32
    scf.for %scan3A_24 = %scan3A to %scan3A_10 step %scan3A_11  : i32 {
      %mul3A_25 = arith.constant 1 : i32
      %mul3A_26 = arith.muli %scan3A_24, %mul3A_25 : i32
      %add3A_27 = arith.constant 0 : i32
      %add3A_28 = arith.addi %add3A_27, %mul3A_26 : i32
      %rem3A = arith.constant 2 : i32
      %rem3A_29 = arith.remsi %add3A_28, %rem3A : i32
      %eq3A = arith.constant 0 : i32
      %eq3A_30 = arith.cmpi eq, %rem3A_29, %eq3A : i32
      %convert_element_type3A = arith.extui %eq3A_30 : i1 to i32
      %cond3A = arith.constant 0 : i32
      %cond3A_31 = arith.cmpi ne, %convert_element_type3A, %cond3A : i32
      scf.if %cond3A_31 {
        %add3A_37 = arith.constant 1 : i32
        %add3A_38 = arith.addi %add3A_28, %add3A_37 : i32
        %dma_start3A_39 = arith.constant 0 : i32
        %dma_start3A_40 = tpu.memref_slice %arg7[%add3A_38, %dma_start3A_39] : memref<80x125xi32, #tpu.memory_space<vmem>> -> memref<1x125xi32, #tpu.memory_space<vmem>>
        %dma_start3A_41 = tpu.memref_squeeze %dma_start3A_40 : memref<1x125xi32, #tpu.memory_space<vmem>> -> memref<125xi32, #tpu.memory_space<vmem>>
        %dma_start3A_42 = arith.constant 0 : i32
        %dma_start3A_43 = arith.constant 0 : i32
        %dma_start3A_44 = tpu.memref_slice %arg4[%dma_start3A_42, %dma_start3A_43] : memref<10000x32xf32, #tpu.memory_space<hbm>> -> memref<10000x32xf32, #tpu.memory_space<hbm>>
        tpu.enqueue_indirect_dma source(%dma_start3A_44 : memref<10000x32xf32, #tpu.memory_space<hbm>>) target(%arg10 : memref<125x32xf32, #tpu.memory_space<vmem>>) offsets(%dma_start3A_41 : memref<125xi32, #tpu.memory_space<vmem>>) semaphore(%arg14 : memref<!tpu.dma_semaphore, #tpu.memory_space<semaphore_mem>>)
        %dma_wait3A_45 = arith.constant 0 : i32
        %dma_wait3A_46 = tpu.memref_slice %arg7[%add3A_28, %dma_wait3A_45] : memref<80x125xi32, #tpu.memory_space<vmem>> -> memref<1x125xi32, #tpu.memory_space<vmem>>
        %dma_wait3A_47 = tpu.memref_squeeze %dma_wait3A_46 : memref<1x125xi32, #tpu.memory_space<vmem>> -> memref<125xi32, #tpu.memory_space<vmem>>
        %dma_wait3A_48 = arith.constant 0 : i32
        %dma_wait3A_49 = arith.constant 0 : i32
        %dma_wait3A_50 = tpu.memref_slice %arg4[%dma_wait3A_48, %dma_wait3A_49] : memref<10000x32xf32, #tpu.memory_space<hbm>> -> memref<10000x32xf32, #tpu.memory_space<hbm>>
        tpu.wait_indirect_dma semaphore(%arg13 : memref<!tpu.dma_semaphore, #tpu.memory_space<semaphore_mem>>) src(%dma_wait3A_50 : memref<10000x32xf32, #tpu.memory_space<hbm>>) dst(%arg9 : memref<125x32xf32, #tpu.memory_space<vmem>>)
        "tpu.region"() ({
          %run_scoped3A_51 = tpu.sem_alloc : memref<!tpu.dma_semaphore, #tpu.memory_space<semaphore_mem>>
          %dma_start3A_52 = arith.constant 0 : i32
          %dma_start3A_53 = tpu.memref_slice %arg8[%add3A_28, %dma_start3A_52] : memref<80x125xi32, #tpu.memory_space<vmem>> -> memref<1x125xi32, #tpu.memory_space<vmem>>
          %dma_start3A_54 = tpu.memref_squeeze %dma_start3A_53 : memref<1x125xi32, #tpu.memory_space<vmem>> -> memref<125xi32, #tpu.memory_space<vmem>>
          %dma_start3A_55 = arith.constant 0 : i32
          %dma_start3A_56 = arith.constant 0 : i32
          %dma_start3A_57 = tpu.memref_slice %arg12[%dma_start3A_55, %dma_start3A_56] : memref<10112x32xf32, #tpu.memory_space<vmem_shared>> -> memref<10112x32xf32, #tpu.memory_space<vmem_shared>>
          tpu.enqueue_indirect_dma source(%arg9 : memref<125x32xf32, #tpu.memory_space<vmem>>) target(%dma_start3A_57 : memref<10112x32xf32, #tpu.memory_space<vmem_shared>>) offsets(%dma_start3A_54 : memref<125xi32, #tpu.memory_space<vmem>>) semaphore(%run_scoped3A_51 : memref<!tpu.dma_semaphore, #tpu.memory_space<semaphore_mem>>) {add = true}
          %dma_wait3A_58 = arith.constant 0 : i32
          %dma_wait3A_59 = tpu.memref_slice %arg8[%add3A_28, %dma_wait3A_58] : memref<80x125xi32, #tpu.memory_space<vmem>> -> memref<1x125xi32, #tpu.memory_space<vmem>>
          %dma_wait3A_60 = tpu.memref_squeeze %dma_wait3A_59 : memref<1x125xi32, #tpu.memory_space<vmem>> -> memref<125xi32, #tpu.memory_space<vmem>>
          %dma_wait3A_61 = arith.constant 0 : i32
          %dma_wait3A_62 = arith.constant 0 : i32
          %dma_wait3A_63 = tpu.memref_slice %arg12[%dma_wait3A_61, %dma_wait3A_62] : memref<10112x32xf32, #tpu.memory_space<vmem_shared>> -> memref<10112x32xf32, #tpu.memory_space<vmem_shared>>
          tpu.wait_indirect_dma semaphore(%run_scoped3A_51 : memref<!tpu.dma_semaphore, #tpu.memory_space<semaphore_mem>>) src(%arg9 : memref<125x32xf32, #tpu.memory_space<vmem>>) dst(%dma_wait3A_63 : memref<10112x32xf32, #tpu.memory_space<vmem_shared>>)
          tpu.yield
        }) : () -> ()
      } else {
      }
      %eq3A_32 = arith.constant 1 : i32
      %eq3A_33 = arith.cmpi eq, %rem3A_29, %eq3A_32 : i32
      %convert_element_type3A_34 = arith.extui %eq3A_33 : i1 to i32
      %cond3A_35 = arith.constant 0 : i32
      %cond3A_36 = arith.cmpi ne, %convert_element_type3A_34, %cond3A_35 : i32
      scf.if %cond3A_36 {
        %add3A_37 = arith.constant 1 : i32
        %add3A_38 = arith.addi %add3A_28, %add3A_37 : i32
        %dma_start3A_39 = arith.constant 0 : i32
        %dma_start3A_40 = tpu.memref_slice %arg7[%add3A_38, %dma_start3A_39] : memref<80x125xi32, #tpu.memory_space<vmem>> -> memref<1x125xi32, #tpu.memory_space<vmem>>
        %dma_start3A_41 = tpu.memref_squeeze %dma_start3A_40 : memref<1x125xi32, #tpu.memory_space<vmem>> -> memref<125xi32, #tpu.memory_space<vmem>>
        %dma_start3A_42 = arith.constant 0 : i32
        %dma_start3A_43 = arith.constant 0 : i32
        %dma_start3A_44 = tpu.memref_slice %arg4[%dma_start3A_42, %dma_start3A_43] : memref<10000x32xf32, #tpu.memory_space<hbm>> -> memref<10000x32xf32, #tpu.memory_space<hbm>>
        tpu.enqueue_indirect_dma source(%dma_start3A_44 : memref<10000x32xf32, #tpu.memory_space<hbm>>) target(%arg9 : memref<125x32xf32, #tpu.memory_space<vmem>>) offsets(%dma_start3A_41 : memref<125xi32, #tpu.memory_space<vmem>>) semaphore(%arg13 : memref<!tpu.dma_semaphore, #tpu.memory_space<semaphore_mem>>)
        %dma_wait3A_45 = arith.constant 0 : i32
        %dma_wait3A_46 = tpu.memref_slice %arg7[%add3A_28, %dma_wait3A_45] : memref<80x125xi32, #tpu.memory_space<vmem>> -> memref<1x125xi32, #tpu.memory_space<vmem>>
        %dma_wait3A_47 = tpu.memref_squeeze %dma_wait3A_46 : memref<1x125xi32, #tpu.memory_space<vmem>> -> memref<125xi32, #tpu.memory_space<vmem>>
        %dma_wait3A_48 = arith.constant 0 : i32
        %dma_wait3A_49 = arith.constant 0 : i32
        %dma_wait3A_50 = tpu.memref_slice %arg4[%dma_wait3A_48, %dma_wait3A_49] : memref<10000x32xf32, #tpu.memory_space<hbm>> -> memref<10000x32xf32, #tpu.memory_space<hbm>>
        tpu.wait_indirect_dma semaphore(%arg14 : memref<!tpu.dma_semaphore, #tpu.memory_space<semaphore_mem>>) src(%dma_wait3A_50 : memref<10000x32xf32, #tpu.memory_space<hbm>>) dst(%arg10 : memref<125x32xf32, #tpu.memory_space<vmem>>)
        "tpu.region"() ({
          %run_scoped3A_51 = tpu.sem_alloc : memref<!tpu.dma_semaphore, #tpu.memory_space<semaphore_mem>>
          %dma_start3A_52 = arith.constant 0 : i32
          %dma_start3A_53 = tpu.memref_slice %arg8[%add3A_28, %dma_start3A_52] : memref<80x125xi32, #tpu.memory_space<vmem>> -> memref<1x125xi32, #tpu.memory_space<vmem>>
          %dma_start3A_54 = tpu.memref_squeeze %dma_start3A_53 : memref<1x125xi32, #tpu.memory_space<vmem>> -> memref<125xi32, #tpu.memory_space<vmem>>
          %dma_start3A_55 = arith.constant 0 : i32
          %dma_start3A_56 = arith.constant 0 : i32
          %dma_start3A_57 = tpu.memref_slice %arg12[%dma_start3A_55, %dma_start3A_56] : memref<10112x32xf32, #tpu.memory_space<vmem_shared>> -> memref<10112x32xf32, #tpu.memory_space<vmem_shared>>
          tpu.enqueue_indirect_dma source(%arg10 : memref<125x32xf32, #tpu.memory_space<vmem>>) target(%dma_start3A_57 : memref<10112x32xf32, #tpu.memory_space<vmem_shared>>) offsets(%dma_start3A_54 : memref<125xi32, #tpu.memory_space<vmem>>) semaphore(%run_scoped3A_51 : memref<!tpu.dma_semaphore, #tpu.memory_space<semaphore_mem>>) {add = true}
          %dma_wait3A_58 = arith.constant 0 : i32
          %dma_wait3A_59 = tpu.memref_slice %arg8[%add3A_28, %dma_wait3A_58] : memref<80x125xi32, #tpu.memory_space<vmem>> -> memref<1x125xi32, #tpu.memory_space<vmem>>
          %dma_wait3A_60 = tpu.memref_squeeze %dma_wait3A_59 : memref<1x125xi32, #tpu.memory_space<vmem>> -> memref<125xi32, #tpu.memory_space<vmem>>
          %dma_wait3A_61 = arith.constant 0 : i32
          %dma_wait3A_62 = arith.constant 0 : i32
          %dma_wait3A_63 = tpu.memref_slice %arg12[%dma_wait3A_61, %dma_wait3A_62] : memref<10112x32xf32, #tpu.memory_space<vmem_shared>> -> memref<10112x32xf32, #tpu.memory_space<vmem_shared>>
          tpu.wait_indirect_dma semaphore(%run_scoped3A_51 : memref<!tpu.dma_semaphore, #tpu.memory_space<semaphore_mem>>) src(%arg10 : memref<125x32xf32, #tpu.memory_space<vmem>>) dst(%dma_wait3A_63 : memref<10112x32xf32, #tpu.memory_space<vmem_shared>>)
          tpu.yield
        }) : () -> ()
      } else {
      }
    }
    %scan3A_12 = arith.constant 79 : i32
    %dma_wait3A = arith.constant 79 : i32
    %dma_wait3A_13 = arith.constant 0 : i32
    %dma_wait3A_14 = tpu.memref_slice %arg7[%dma_wait3A, %dma_wait3A_13] : memref<80x125xi32, #tpu.memory_space<vmem>> -> memref<1x125xi32, #tpu.memory_space<vmem>>
    %dma_wait3A_15 = tpu.memref_squeeze %dma_wait3A_14 : memref<1x125xi32, #tpu.memory_space<vmem>> -> memref<125xi32, #tpu.memory_space<vmem>>
    %dma_wait3A_16 = arith.constant 0 : i32
    %dma_wait3A_17 = arith.constant 0 : i32
    %dma_wait3A_18 = tpu.memref_slice %arg4[%dma_wait3A_16, %dma_wait3A_17] : memref<10000x32xf32, #tpu.memory_space<hbm>> -> memref<10000x32xf32, #tpu.memory_space<hbm>>
    tpu.wait_indirect_dma semaphore(%arg14 : memref<!tpu.dma_semaphore, #tpu.memory_space<semaphore_mem>>) src(%dma_wait3A_18 : memref<10000x32xf32, #tpu.memory_space<hbm>>) dst(%arg10 : memref<125x32xf32, #tpu.memory_space<vmem>>)
    %run_scoped3A = arith.constant 79 : i32
    "tpu.region"() ({
      %run_scoped3A_24 = tpu.sem_alloc : memref<!tpu.dma_semaphore, #tpu.memory_space<semaphore_mem>>
      %dma_start3A_25 = arith.constant 0 : i32
      %dma_start3A_26 = tpu.memref_slice %arg8[%run_scoped3A, %dma_start3A_25] : memref<80x125xi32, #tpu.memory_space<vmem>> -> memref<1x125xi32, #tpu.memory_space<vmem>>
      %dma_start3A_27 = tpu.memref_squeeze %dma_start3A_26 : memref<1x125xi32, #tpu.memory_space<vmem>> -> memref<125xi32, #tpu.memory_space<vmem>>
      %dma_start3A_28 = arith.constant 0 : i32
      %dma_start3A_29 = arith.constant 0 : i32
      %dma_start3A_30 = tpu.memref_slice %arg12[%dma_start3A_28, %dma_start3A_29] : memref<10112x32xf32, #tpu.memory_space<vmem_shared>> -> memref<10112x32xf32, #tpu.memory_space<vmem_shared>>
      tpu.enqueue_indirect_dma source(%arg10 : memref<125x32xf32, #tpu.memory_space<vmem>>) target(%dma_start3A_30 : memref<10112x32xf32, #tpu.memory_space<vmem_shared>>) offsets(%dma_start3A_27 : memref<125xi32, #tpu.memory_space<vmem>>) semaphore(%run_scoped3A_24 : memref<!tpu.dma_semaphore, #tpu.memory_space<semaphore_mem>>) {add = true}
      %dma_wait3A_31 = arith.constant 0 : i32
      %dma_wait3A_32 = tpu.memref_slice %arg8[%run_scoped3A, %dma_wait3A_31] : memref<80x125xi32, #tpu.memory_space<vmem>> -> memref<1x125xi32, #tpu.memory_space<vmem>>
      %dma_wait3A_33 = tpu.memref_squeeze %dma_wait3A_32 : memref<1x125xi32, #tpu.memory_space<vmem>> -> memref<125xi32, #tpu.memory_space<vmem>>
      %dma_wait3A_34 = arith.constant 0 : i32
      %dma_wait3A_35 = arith.constant 0 : i32
      %dma_wait3A_36 = tpu.memref_slice %arg12[%dma_wait3A_34, %dma_wait3A_35] : memref<10112x32xf32, #tpu.memory_space<vmem_shared>> -> memref<10112x32xf32, #tpu.memory_space<vmem_shared>>
      tpu.wait_indirect_dma semaphore(%run_scoped3A_24 : memref<!tpu.dma_semaphore, #tpu.memory_space<semaphore_mem>>) src(%arg10 : memref<125x32xf32, #tpu.memory_space<vmem>>) dst(%dma_wait3A_36 : memref<10112x32xf32, #tpu.memory_space<vmem_shared>>)
      tpu.yield
    }) : () -> ()
    %barrier3A_19 = arith.constant 0 : index
    tpu.barrier barrier_id(%barrier3A_19)
    %mul3A_20 = arith.constant 632 : i32
    %mul3A_21 = arith.muli %arg1, %mul3A_20 : i32
    %mul3A_22 = arith.constant 632 : i32
    %mul3A_23 = arith.muli %arg1, %mul3A_22 : i32
    "tpu.region"() ({
      %run_scoped3A_24 = tpu.sem_alloc : memref<!tpu.dma_semaphore, #tpu.memory_space<semaphore_mem>>
      %dma_start3A_25 = arith.constant 0 : i32
      %dma_start3A_26 = tpu.memref_slice %arg6[%arg0, %mul3A_23, %dma_start3A_25] : memref<2x10112x32xf32, #tpu.memory_space<hbm>> -> memref<1x632x32xf32, #tpu.memory_space<hbm>>
      %dma_start3A_27 = tpu.memref_squeeze %dma_start3A_26 : memref<1x632x32xf32, #tpu.memory_space<hbm>> -> memref<632x32xf32, #tpu.memory_space<hbm>>
      %dma_start3A_28 = arith.constant 0 : i32
      %dma_start3A_29 = tpu.memref_slice %arg12[%mul3A_21, %dma_start3A_28] : memref<10112x32xf32, #tpu.memory_space<vmem_shared>> -> memref<632x32xf32, #tpu.memory_space<vmem_shared>>
      tpu.enqueue_dma source(%dma_start3A_29 : memref<632x32xf32, #tpu.memory_space<vmem_shared>>) target(%dma_start3A_27 : memref<632x32xf32, #tpu.memory_space<hbm>>) target_semaphore(%run_scoped3A_24 : memref<!tpu.dma_semaphore, #tpu.memory_space<semaphore_mem>>)
      %dma_wait3A_30 = arith.constant 0 : i32
      %dma_wait3A_31 = tpu.memref_slice %arg6[%arg0, %mul3A_23, %dma_wait3A_30] : memref<2x10112x32xf32, #tpu.memory_space<hbm>> -> memref<1x632x32xf32, #tpu.memory_space<hbm>>
      %dma_wait3A_32 = tpu.memref_squeeze %dma_wait3A_31 : memref<1x632x32xf32, #tpu.memory_space<hbm>> -> memref<632x32xf32, #tpu.memory_space<hbm>>
      %dma_wait3A_33 = arith.constant 0 : i32
      %dma_wait3A_34 = tpu.memref_slice %arg12[%mul3A_21, %dma_wait3A_33] : memref<10112x32xf32, #tpu.memory_space<vmem_shared>> -> memref<632x32xf32, #tpu.memory_space<vmem_shared>>
      tpu.wait_dma2 semaphore(%run_scoped3A_24 : memref<!tpu.dma_semaphore, #tpu.memory_space<semaphore_mem>>) src(%dma_wait3A_34 : memref<632x32xf32, #tpu.memory_space<vmem_shared>>) dst(%dma_wait3A_32 : memref<632x32xf32, #tpu.memory_space<hbm>>)
      tpu.yield
    }) : () -> ()
    return
  }
}

#map = affine_map<(d0, d1) -> (0, 0, 0)>
#map1 = affine_map<(d0, d1) -> (0)>
#map2 = affine_map<(d0, d1) -> (0, 0)>
module attributes {stable_mosaic.version = 14 : i64} {
  func.func @_deg_body(%arg0: i32, %arg1: i32, %arg2: memref<32x80x125xi32, #tpu.memory_space<hbm>>, %arg3: memref<125xf32, #tpu.memory_space<hbm>>, %arg4: memref<10112xf32, #tpu.memory_space<hbm>>, %arg5: memref<2x10112xf32, #tpu.memory_space<hbm>>, %arg6: memref<80x125xi32, #tpu.memory_space<vmem>>, %arg7: memref<125xf32, #tpu.memory_space<vmem>>, %arg8: memref<10112xf32, #tpu.memory_space<vmem>>, %arg9: memref<10112xf32, #tpu.memory_space<vmem_shared>>) attributes {dimension_semantics = [#tpu.dimension_semantics<core_parallel>, #tpu.dimension_semantics<subcore_parallel>], iteration_bounds = array<i64: 2, 16>, scalar_prefetch = 0 : i64, scratch_operands = 4 : i64, tpu.core_type = #tpu.core_type<sc_vector_subcore>, window_params = [{transform_indices = #map}, {transform_indices = #map1}, {transform_indices = #map1}, {transform_indices = #map2}]} {
    %mul3A = arith.constant 2 : i32
    %mul3A_0 = arith.muli %arg1, %mul3A : i32
    %add3A = arith.addi %mul3A_0, %arg0 : i32
    "tpu.region"() ({
      %run_scoped3A = tpu.sem_alloc : memref<!tpu.dma_semaphore, #tpu.memory_space<semaphore_mem>>
      %dma_start3A = arith.constant 0 : i32
      %dma_start3A_13 = arith.constant 0 : i32
      %dma_start3A_14 = tpu.memref_slice %arg2[%add3A, %dma_start3A, %dma_start3A_13] : memref<32x80x125xi32, #tpu.memory_space<hbm>> -> memref<1x80x125xi32, #tpu.memory_space<hbm>>
      %dma_start3A_15 = tpu.memref_squeeze %dma_start3A_14 : memref<1x80x125xi32, #tpu.memory_space<hbm>> -> memref<80x125xi32, #tpu.memory_space<hbm>>
      %dma_start3A_16 = arith.constant 0 : i32
      %dma_start3A_17 = arith.constant 0 : i32
      %dma_start3A_18 = tpu.memref_slice %arg2[%add3A, %dma_start3A_16, %dma_start3A_17] : memref<32x80x125xi32, #tpu.memory_space<hbm>> -> memref<1x80x125xi32, #tpu.memory_space<hbm>>
      %dma_start3A_19 = tpu.memref_squeeze %dma_start3A_18 : memref<1x80x125xi32, #tpu.memory_space<hbm>> -> memref<80x125xi32, #tpu.memory_space<hbm>>
      tpu.enqueue_dma source(%dma_start3A_19 : memref<80x125xi32, #tpu.memory_space<hbm>>) target(%arg6 : memref<80x125xi32, #tpu.memory_space<vmem>>) target_semaphore(%run_scoped3A : memref<!tpu.dma_semaphore, #tpu.memory_space<semaphore_mem>>)
      %dma_wait3A = arith.constant 0 : i32
      %dma_wait3A_20 = arith.constant 0 : i32
      %dma_wait3A_21 = tpu.memref_slice %arg2[%add3A, %dma_wait3A, %dma_wait3A_20] : memref<32x80x125xi32, #tpu.memory_space<hbm>> -> memref<1x80x125xi32, #tpu.memory_space<hbm>>
      %dma_wait3A_22 = tpu.memref_squeeze %dma_wait3A_21 : memref<1x80x125xi32, #tpu.memory_space<hbm>> -> memref<80x125xi32, #tpu.memory_space<hbm>>
      %dma_wait3A_23 = arith.constant 0 : i32
      %dma_wait3A_24 = arith.constant 0 : i32
      %dma_wait3A_25 = tpu.memref_slice %arg2[%add3A, %dma_wait3A_23, %dma_wait3A_24] : memref<32x80x125xi32, #tpu.memory_space<hbm>> -> memref<1x80x125xi32, #tpu.memory_space<hbm>>
      %dma_wait3A_26 = tpu.memref_squeeze %dma_wait3A_25 : memref<1x80x125xi32, #tpu.memory_space<hbm>> -> memref<80x125xi32, #tpu.memory_space<hbm>>
      tpu.wait_dma2 semaphore(%run_scoped3A : memref<!tpu.dma_semaphore, #tpu.memory_space<semaphore_mem>>) src(%dma_wait3A_26 : memref<80x125xi32, #tpu.memory_space<hbm>>) dst(%arg6 : memref<80x125xi32, #tpu.memory_space<vmem>>)
      tpu.yield
    }) : () -> ()
    "tpu.region"() ({
      %run_scoped3A = tpu.sem_alloc : memref<!tpu.dma_semaphore, #tpu.memory_space<semaphore_mem>>
      tpu.enqueue_dma source(%arg3 : memref<125xf32, #tpu.memory_space<hbm>>) target(%arg7 : memref<125xf32, #tpu.memory_space<vmem>>) target_semaphore(%run_scoped3A : memref<!tpu.dma_semaphore, #tpu.memory_space<semaphore_mem>>)
      tpu.wait_dma2 semaphore(%run_scoped3A : memref<!tpu.dma_semaphore, #tpu.memory_space<semaphore_mem>>) src(%arg3 : memref<125xf32, #tpu.memory_space<hbm>>) dst(%arg7 : memref<125xf32, #tpu.memory_space<vmem>>)
      tpu.yield
    }) : () -> ()
    %eq3A = arith.constant 0 : i32
    %eq3A_1 = arith.cmpi eq, %arg1, %eq3A : i32
    %convert_element_type3A = arith.extui %eq3A_1 : i1 to i32
    %cond3A = arith.constant 0 : i32
    %cond3A_2 = arith.cmpi ne, %convert_element_type3A, %cond3A : i32
    scf.if %cond3A_2 {
      "tpu.region"() ({
        %run_scoped3A = tpu.sem_alloc : memref<!tpu.dma_semaphore, #tpu.memory_space<semaphore_mem>>
        tpu.enqueue_dma source(%arg4 : memref<10112xf32, #tpu.memory_space<hbm>>) target(%arg8 : memref<10112xf32, #tpu.memory_space<vmem>>) target_semaphore(%run_scoped3A : memref<!tpu.dma_semaphore, #tpu.memory_space<semaphore_mem>>)
        tpu.wait_dma2 semaphore(%run_scoped3A : memref<!tpu.dma_semaphore, #tpu.memory_space<semaphore_mem>>) src(%arg4 : memref<10112xf32, #tpu.memory_space<hbm>>) dst(%arg8 : memref<10112xf32, #tpu.memory_space<vmem>>)
        tpu.yield
      }) : () -> ()
      "tpu.region"() ({
        %run_scoped3A = tpu.sem_alloc : memref<!tpu.dma_semaphore, #tpu.memory_space<semaphore_mem>>
        tpu.enqueue_dma source(%arg8 : memref<10112xf32, #tpu.memory_space<vmem>>) target(%arg9 : memref<10112xf32, #tpu.memory_space<vmem_shared>>) target_semaphore(%run_scoped3A : memref<!tpu.dma_semaphore, #tpu.memory_space<semaphore_mem>>)
        tpu.wait_dma2 semaphore(%run_scoped3A : memref<!tpu.dma_semaphore, #tpu.memory_space<semaphore_mem>>) src(%arg8 : memref<10112xf32, #tpu.memory_space<vmem>>) dst(%arg9 : memref<10112xf32, #tpu.memory_space<vmem_shared>>)
        tpu.yield
      }) : () -> ()
    } else {
    }
    %barrier3A = arith.constant 0 : index
    tpu.barrier barrier_id(%barrier3A)
    %scan3A = arith.constant 0 : i32
    %scan3A_3 = arith.constant 80 : i32
    %scan3A_4 = arith.addi %scan3A, %scan3A_3 : i32
    %scan3A_5 = arith.constant 1 : i32
    scf.for %scan3A_13 = %scan3A to %scan3A_4 step %scan3A_5  : i32 {
      %mul3A_14 = arith.constant 1 : i32
      %mul3A_15 = arith.muli %scan3A_13, %mul3A_14 : i32
      %add3A_16 = arith.constant 0 : i32
      %add3A_17 = arith.addi %add3A_16, %mul3A_15 : i32
      "tpu.region"() ({
        %run_scoped3A = tpu.sem_alloc : memref<!tpu.dma_semaphore, #tpu.memory_space<semaphore_mem>>
        %dma_start3A = arith.constant 0 : i32
        %dma_start3A_18 = tpu.memref_slice %arg6[%add3A_17, %dma_start3A] : memref<80x125xi32, #tpu.memory_space<vmem>> -> memref<1x125xi32, #tpu.memory_space<vmem>>
        %dma_start3A_19 = tpu.memref_squeeze %dma_start3A_18 : memref<1x125xi32, #tpu.memory_space<vmem>> -> memref<125xi32, #tpu.memory_space<vmem>>
        %dma_start3A_20 = arith.constant 0 : i32
        %dma_start3A_21 = tpu.memref_slice %arg9[%dma_start3A_20] : memref<10112xf32, #tpu.memory_space<vmem_shared>> -> memref<10112xf32, #tpu.memory_space<vmem_shared>>
        tpu.enqueue_indirect_dma source(%arg7 : memref<125xf32, #tpu.memory_space<vmem>>) target(%dma_start3A_21 : memref<10112xf32, #tpu.memory_space<vmem_shared>>) offsets(%dma_start3A_19 : memref<125xi32, #tpu.memory_space<vmem>>) semaphore(%run_scoped3A : memref<!tpu.dma_semaphore, #tpu.memory_space<semaphore_mem>>) {add = true}
        %dma_wait3A = arith.constant 0 : i32
        %dma_wait3A_22 = tpu.memref_slice %arg6[%add3A_17, %dma_wait3A] : memref<80x125xi32, #tpu.memory_space<vmem>> -> memref<1x125xi32, #tpu.memory_space<vmem>>
        %dma_wait3A_23 = tpu.memref_squeeze %dma_wait3A_22 : memref<1x125xi32, #tpu.memory_space<vmem>> -> memref<125xi32, #tpu.memory_space<vmem>>
        %dma_wait3A_24 = arith.constant 0 : i32
        %dma_wait3A_25 = tpu.memref_slice %arg9[%dma_wait3A_24] : memref<10112xf32, #tpu.memory_space<vmem_shared>> -> memref<10112xf32, #tpu.memory_space<vmem_shared>>
        tpu.wait_indirect_dma semaphore(%run_scoped3A : memref<!tpu.dma_semaphore, #tpu.memory_space<semaphore_mem>>) src(%arg7 : memref<125xf32, #tpu.memory_space<vmem>>) dst(%dma_wait3A_25 : memref<10112xf32, #tpu.memory_space<vmem_shared>>)
        tpu.yield
      }) : () -> ()
    }
    %scan3A_6 = arith.constant 80 : i32
    %barrier3A_7 = arith.constant 0 : index
    tpu.barrier barrier_id(%barrier3A_7)
    %eq3A_8 = arith.constant 0 : i32
    %eq3A_9 = arith.cmpi eq, %arg1, %eq3A_8 : i32
    %convert_element_type3A_10 = arith.extui %eq3A_9 : i1 to i32
    %cond3A_11 = arith.constant 0 : i32
    %cond3A_12 = arith.cmpi ne, %convert_element_type3A_10, %cond3A_11 : i32
    scf.if %cond3A_12 {
      "tpu.region"() ({
        %run_scoped3A = tpu.sem_alloc : memref<!tpu.dma_semaphore, #tpu.memory_space<semaphore_mem>>
        %dma_start3A = arith.constant 0 : i32
        %dma_start3A_13 = tpu.memref_slice %arg5[%arg0, %dma_start3A] : memref<2x10112xf32, #tpu.memory_space<hbm>> -> memref<1x10112xf32, #tpu.memory_space<hbm>>
        %dma_start3A_14 = tpu.memref_squeeze %dma_start3A_13 : memref<1x10112xf32, #tpu.memory_space<hbm>> -> memref<10112xf32, #tpu.memory_space<hbm>>
        tpu.enqueue_dma source(%arg9 : memref<10112xf32, #tpu.memory_space<vmem_shared>>) target(%dma_start3A_14 : memref<10112xf32, #tpu.memory_space<hbm>>) target_semaphore(%run_scoped3A : memref<!tpu.dma_semaphore, #tpu.memory_space<semaphore_mem>>)
        %dma_wait3A = arith.constant 0 : i32
        %dma_wait3A_15 = tpu.memref_slice %arg5[%arg0, %dma_wait3A] : memref<2x10112xf32, #tpu.memory_space<hbm>> -> memref<1x10112xf32, #tpu.memory_space<hbm>>
        %dma_wait3A_16 = tpu.memref_squeeze %dma_wait3A_15 : memref<1x10112xf32, #tpu.memory_space<hbm>> -> memref<10112xf32, #tpu.memory_space<hbm>>
        tpu.wait_dma2 semaphore(%run_scoped3A : memref<!tpu.dma_semaphore, #tpu.memory_space<semaphore_mem>>) src(%arg9 : memref<10112xf32, #tpu.memory_space<vmem_shared>>) dst(%dma_wait3A_16 : memref<10112xf32, #tpu.memory_space<hbm>>)
        tpu.yield
      }) : () -> ()
    } else {
    }
    return
  }
}

module attributes {stable_mosaic.version = 14 : i64} {
  func.func @_enc_body(%arg0: memref<10000x128xf32, #tpu.memory_space<vmem>>, %arg1: memref<10000x4xf32, #tpu.memory_space<vmem>>, %arg2: memref<10000x2xf32, #tpu.memory_space<vmem>>, %arg3: memref<128x32xf32, #tpu.memory_space<vmem>>, %arg4: memref<4x32xf32, #tpu.memory_space<vmem>>, %arg5: memref<1x32xf32, #tpu.memory_space<vmem>>, %arg6: memref<32x32xf32, #tpu.memory_space<vmem>>, %arg7: memref<1x32xf32, #tpu.memory_space<vmem>>, %arg8: memref<32x32xf32, #tpu.memory_space<vmem>>, %arg9: memref<10000x32xf32, #tpu.memory_space<vmem>>, %arg10: memref<10000x32xf32, #tpu.memory_space<vmem>>, %arg11: memref<10000x1xf32, #tpu.memory_space<vmem>>) attributes {dimension_semantics = [], scalar_prefetch = 0 : i64, scratch_operands = 0 : i64, tpu.core_type = #tpu.core_type<tc>} {
    %get3A = arith.constant 0 : index
    %get3A_0 = arith.constant 0 : index
    %get3A_1 = vector.load %arg0[%get3A, %get3A_0] : memref<10000x128xf32, #tpu.memory_space<vmem>>, vector<10000x128xf32>
    %get3A_2 = arith.constant 0 : index
    %get3A_3 = arith.constant 0 : index
    %get3A_4 = vector.load %arg3[%get3A_2, %get3A_3] : memref<128x32xf32, #tpu.memory_space<vmem>>, vector<128x32xf32>
    %dot_general3A = arith.constant dense<0.000000e+00> : vector<10000x32xf32>
    %dot_general3A_5 = tpu.matmul %get3A_1, %get3A_4, %dot_general3A {dimension_numbers = #tpu.dot_dimension_numbers<[1], [0], [0], [1], [0, 0, 1, 1], [], []>, transpose_lhs_hint = false} : vector<10000x128xf32>, vector<128x32xf32>, vector<10000x32xf32> -> vector<10000x32xf32>
    %get3A_6 = arith.constant 0 : index
    %get3A_7 = arith.constant 0 : index
    %get3A_8 = vector.load %arg1[%get3A_6, %get3A_7] : memref<10000x4xf32, #tpu.memory_space<vmem>>, vector<10000x4xf32>
    %get3A_9 = arith.constant 0 : index
    %get3A_10 = arith.constant 0 : index
    %get3A_11 = vector.load %arg4[%get3A_9, %get3A_10] : memref<4x32xf32, #tpu.memory_space<vmem>>, vector<4x32xf32>
    %dot_general3A_12 = arith.constant dense<0.000000e+00> : vector<10000x32xf32>
    %dot_general3A_13 = tpu.matmul %get3A_8, %get3A_11, %dot_general3A_12 {dimension_numbers = #tpu.dot_dimension_numbers<[1], [0], [0], [1], [0, 0, 1, 1], [], []>, transpose_lhs_hint = false} : vector<10000x4xf32>, vector<4x32xf32>, vector<10000x32xf32> -> vector<10000x32xf32>
    %add3A = arith.addf %dot_general3A_5, %dot_general3A_13 : vector<10000x32xf32>
    %get3A_14 = arith.constant 0 : index
    %get3A_15 = arith.constant 0 : index
    %get3A_16 = vector.load %arg5[%get3A_14, %get3A_15] : memref<1x32xf32, #tpu.memory_space<vmem>>, vector<1x32xf32>
    %add3A_17 = vector.broadcast %get3A_16 : vector<1x32xf32> to vector<10000x32xf32>
    %add3A_18 = arith.addf %add3A, %add3A_17 : vector<10000x32xf32>
    %max3A = arith.constant 0.000000e+00 : f32
    %max3A_19 = vector.broadcast %max3A : f32 to vector<10000x32xf32>
    %max3A_20 = arith.maximumf %add3A_18, %max3A_19 : vector<10000x32xf32>
    %get3A_21 = arith.constant 0 : index
    %get3A_22 = arith.constant 0 : index
    %get3A_23 = vector.load %arg6[%get3A_21, %get3A_22] : memref<32x32xf32, #tpu.memory_space<vmem>>, vector<32x32xf32>
    %dot_general3A_24 = arith.constant dense<0.000000e+00> : vector<10000x32xf32>
    %dot_general3A_25 = tpu.matmul %max3A_20, %get3A_23, %dot_general3A_24 {dimension_numbers = #tpu.dot_dimension_numbers<[1], [0], [0], [1], [0, 0, 1, 1], [], []>, transpose_lhs_hint = false} : vector<10000x32xf32>, vector<32x32xf32>, vector<10000x32xf32> -> vector<10000x32xf32>
    %get3A_26 = arith.constant 0 : index
    %get3A_27 = arith.constant 0 : index
    %get3A_28 = vector.load %arg7[%get3A_26, %get3A_27] : memref<1x32xf32, #tpu.memory_space<vmem>>, vector<1x32xf32>
    %add3A_29 = vector.broadcast %get3A_28 : vector<1x32xf32> to vector<10000x32xf32>
    %add3A_30 = arith.addf %dot_general3A_25, %add3A_29 : vector<10000x32xf32>
    %max3A_31 = arith.constant 0.000000e+00 : f32
    %max3A_32 = vector.broadcast %max3A_31 : f32 to vector<10000x32xf32>
    %max3A_33 = arith.maximumf %add3A_30, %max3A_32 : vector<10000x32xf32>
    %swap3A = arith.constant 0 : index
    %swap3A_34 = arith.constant 0 : index
    %swap3A_35 = vector.load %arg9[%swap3A, %swap3A_34] : memref<10000x32xf32, #tpu.memory_space<vmem>>, vector<10000x32xf32>
    tpu.vector_store %arg9[%swap3A, %swap3A_34], %max3A_33 {strides = array<i32>} : memref<10000x32xf32, #tpu.memory_space<vmem>>, vector<10000x32xf32>,
    %get3A_36 = arith.constant 0 : index
    %get3A_37 = arith.constant 0 : index
    %get3A_38 = vector.load %arg8[%get3A_36, %get3A_37] : memref<32x32xf32, #tpu.memory_space<vmem>>, vector<32x32xf32>
    %dot_general3A_39 = arith.constant dense<0.000000e+00> : vector<10000x32xf32>
    %dot_general3A_40 = tpu.matmul %max3A_33, %get3A_38, %dot_general3A_39 {dimension_numbers = #tpu.dot_dimension_numbers<[1], [0], [0], [1], [0, 0, 1, 1], [], []>, transpose_lhs_hint = false} : vector<10000x32xf32>, vector<32x32xf32>, vector<10000x32xf32> -> vector<10000x32xf32>
    %get3A_41 = arith.constant 0 : index
    %get3A_42 = arith.constant 0 : index
    %get3A_43 = vector.load %arg2[%get3A_41, %get3A_42] : memref<10000x2xf32, #tpu.memory_space<vmem>>, vector<10000x2xf32>
    %slice3A = vector.extract_strided_slice %get3A_43 {offsets = [0, 0], sizes = [10000, 1], strides = [1, 1]} : vector<10000x2xf32> to vector<10000x1xf32>
    %slice3A_44 = vector.extract_strided_slice %get3A_43 {offsets = [0, 1], sizes = [10000, 1], strides = [1, 1]} : vector<10000x2xf32> to vector<10000x1xf32>
    %add3A_45 = arith.addf %slice3A, %slice3A_44 : vector<10000x1xf32>
    %add3A_46 = arith.constant 1.000000e+00 : f32
    %add3A_47 = vector.broadcast %add3A_46 : f32 to vector<10000x1xf32>
    %add3A_48 = arith.addf %add3A_45, %add3A_47 : vector<10000x1xf32>
    %rsqrt3A = math.rsqrt %add3A_48 : vector<10000x1xf32>
    %swap3A_49 = arith.constant 0 : index
    %swap3A_50 = arith.constant 0 : index
    %swap3A_51 = vector.load %arg11[%swap3A_49, %swap3A_50] : memref<10000x1xf32, #tpu.memory_space<vmem>>, vector<10000x1xf32>
    tpu.vector_store %arg11[%swap3A_49, %swap3A_50], %rsqrt3A {strides = array<i32>} : memref<10000x1xf32, #tpu.memory_space<vmem>>, vector<10000x1xf32>,
    %mul3A = vector.broadcast %rsqrt3A : vector<10000x1xf32> to vector<10000x32xf32>
    %mul3A_52 = arith.mulf %dot_general3A_40, %mul3A : vector<10000x32xf32>
    %swap3A_53 = arith.constant 0 : index
    %swap3A_54 = arith.constant 0 : index
    %swap3A_55 = vector.load %arg10[%swap3A_53, %swap3A_54] : memref<10000x32xf32, #tpu.memory_space<vmem>>, vector<10000x32xf32>
    tpu.vector_store %arg10[%swap3A_53, %swap3A_54], %mul3A_52 {strides = array<i32>} : memref<10000x32xf32, #tpu.memory_space<vmem>>, vector<10000x32xf32>,
    return
  }
}

module attributes {stable_mosaic.version = 14 : i64} {
  func.func @_post_body(%arg0: memref<10000x32xf32, #tpu.memory_space<vmem>>, %arg1: memref<10000x32xf32, #tpu.memory_space<vmem>>, %arg2: memref<10000x32xf32, #tpu.memory_space<vmem>>, %arg3: memref<10000x1xf32, #tpu.memory_space<vmem>>, %arg4: memref<1x32xf32, #tpu.memory_space<vmem>>, %arg5: memref<32x32xf32, #tpu.memory_space<vmem>>, %arg6: memref<1x32xf32, #tpu.memory_space<vmem>>, %arg7: memref<10000x32xf32, #tpu.memory_space<vmem>>, %arg8: memref<32x32xf32, #tpu.memory_space<vmem>>, %arg9: memref<32x32xf32, #tpu.memory_space<vmem>>, %arg10: memref<1x32xf32, #tpu.memory_space<vmem>>, %arg11: memref<32x32xf32, #tpu.memory_space<vmem>>, %arg12: memref<1x32xf32, #tpu.memory_space<vmem>>, %arg13: memref<10000x32xf32, #tpu.memory_space<vmem>>) attributes {dimension_semantics = [], scalar_prefetch = 0 : i64, scratch_operands = 0 : i64, tpu.core_type = #tpu.core_type<tc>} {
    %get3A = arith.constant 0 : index
    %get3A_0 = arith.constant 0 : index
    %get3A_1 = vector.load %arg0[%get3A, %get3A_0] : memref<10000x32xf32, #tpu.memory_space<vmem>>, vector<10000x32xf32>
    %get3A_2 = arith.constant 0 : index
    %get3A_3 = arith.constant 0 : index
    %get3A_4 = vector.load %arg1[%get3A_2, %get3A_3] : memref<10000x32xf32, #tpu.memory_space<vmem>>, vector<10000x32xf32>
    %add3A = arith.addf %get3A_1, %get3A_4 : vector<10000x32xf32>
    %get3A_5 = arith.constant 0 : index
    %get3A_6 = arith.constant 0 : index
    %get3A_7 = vector.load %arg2[%get3A_5, %get3A_6] : memref<10000x32xf32, #tpu.memory_space<vmem>>, vector<10000x32xf32>
    %add3A_8 = arith.addf %add3A, %get3A_7 : vector<10000x32xf32>
    %get3A_9 = arith.constant 0 : index
    %get3A_10 = arith.constant 0 : index
    %get3A_11 = vector.load %arg3[%get3A_9, %get3A_10] : memref<10000x1xf32, #tpu.memory_space<vmem>>, vector<10000x1xf32>
    %mul3A = vector.broadcast %get3A_11 : vector<10000x1xf32> to vector<10000x32xf32>
    %mul3A_12 = arith.mulf %add3A_8, %mul3A : vector<10000x32xf32>
    %get3A_13 = arith.constant 0 : index
    %get3A_14 = arith.constant 0 : index
    %get3A_15 = vector.load %arg4[%get3A_13, %get3A_14] : memref<1x32xf32, #tpu.memory_space<vmem>>, vector<1x32xf32>
    %add3A_16 = vector.broadcast %get3A_15 : vector<1x32xf32> to vector<10000x32xf32>
    %add3A_17 = arith.addf %mul3A_12, %add3A_16 : vector<10000x32xf32>
    %max3A = arith.constant 0.000000e+00 : f32
    %max3A_18 = vector.broadcast %max3A : f32 to vector<10000x32xf32>
    %max3A_19 = arith.maximumf %add3A_17, %max3A_18 : vector<10000x32xf32>
    %get3A_20 = arith.constant 0 : index
    %get3A_21 = arith.constant 0 : index
    %get3A_22 = vector.load %arg5[%get3A_20, %get3A_21] : memref<32x32xf32, #tpu.memory_space<vmem>>, vector<32x32xf32>
    %dot_general3A = arith.constant dense<0.000000e+00> : vector<10000x32xf32>
    %dot_general3A_23 = tpu.matmul %max3A_19, %get3A_22, %dot_general3A {dimension_numbers = #tpu.dot_dimension_numbers<[1], [0], [0], [1], [0, 0, 1, 1], [], []>, transpose_lhs_hint = false} : vector<10000x32xf32>, vector<32x32xf32>, vector<10000x32xf32> -> vector<10000x32xf32>
    %get3A_24 = arith.constant 0 : index
    %get3A_25 = arith.constant 0 : index
    %get3A_26 = vector.load %arg6[%get3A_24, %get3A_25] : memref<1x32xf32, #tpu.memory_space<vmem>>, vector<1x32xf32>
    %add3A_27 = vector.broadcast %get3A_26 : vector<1x32xf32> to vector<10000x32xf32>
    %add3A_28 = arith.addf %dot_general3A_23, %add3A_27 : vector<10000x32xf32>
    %max3A_29 = arith.constant 0.000000e+00 : f32
    %max3A_30 = vector.broadcast %max3A_29 : f32 to vector<10000x32xf32>
    %max3A_31 = arith.maximumf %add3A_28, %max3A_30 : vector<10000x32xf32>
    %get3A_32 = arith.constant 0 : index
    %get3A_33 = arith.constant 0 : index
    %get3A_34 = vector.load %arg8[%get3A_32, %get3A_33] : memref<32x32xf32, #tpu.memory_space<vmem>>, vector<32x32xf32>
    %dot_general3A_35 = arith.constant dense<0.000000e+00> : vector<10000x32xf32>
    %dot_general3A_36 = tpu.matmul %max3A_31, %get3A_34, %dot_general3A_35 {dimension_numbers = #tpu.dot_dimension_numbers<[1], [0], [0], [1], [0, 0, 1, 1], [], []>, transpose_lhs_hint = false} : vector<10000x32xf32>, vector<32x32xf32>, vector<10000x32xf32> -> vector<10000x32xf32>
    %get3A_37 = arith.constant 0 : index
    %get3A_38 = arith.constant 0 : index
    %get3A_39 = vector.load %arg7[%get3A_37, %get3A_38] : memref<10000x32xf32, #tpu.memory_space<vmem>>, vector<10000x32xf32>
    %get3A_40 = arith.constant 0 : index
    %get3A_41 = arith.constant 0 : index
    %get3A_42 = vector.load %arg9[%get3A_40, %get3A_41] : memref<32x32xf32, #tpu.memory_space<vmem>>, vector<32x32xf32>
    %dot_general3A_43 = arith.constant dense<0.000000e+00> : vector<10000x32xf32>
    %dot_general3A_44 = tpu.matmul %get3A_39, %get3A_42, %dot_general3A_43 {dimension_numbers = #tpu.dot_dimension_numbers<[1], [0], [0], [1], [0, 0, 1, 1], [], []>, transpose_lhs_hint = false} : vector<10000x32xf32>, vector<32x32xf32>, vector<10000x32xf32> -> vector<10000x32xf32>
    %add3A_45 = arith.addf %dot_general3A_36, %dot_general3A_44 : vector<10000x32xf32>
    %get3A_46 = arith.constant 0 : index
    %get3A_47 = arith.constant 0 : index
    %get3A_48 = vector.load %arg10[%get3A_46, %get3A_47] : memref<1x32xf32, #tpu.memory_space<vmem>>, vector<1x32xf32>
    %add3A_49 = vector.broadcast %get3A_48 : vector<1x32xf32> to vector<10000x32xf32>
    %add3A_50 = arith.addf %add3A_45, %add3A_49 : vector<10000x32xf32>
    %max3A_51 = arith.constant 0.000000e+00 : f32
    %max3A_52 = vector.broadcast %max3A_51 : f32 to vector<10000x32xf32>
    %max3A_53 = arith.maximumf %add3A_50, %max3A_52 : vector<10000x32xf32>
    %get3A_54 = arith.constant 0 : index
    %get3A_55 = arith.constant 0 : index
    %get3A_56 = vector.load %arg11[%get3A_54, %get3A_55] : memref<32x32xf32, #tpu.memory_space<vmem>>, vector<32x32xf32>
    %dot_general3A_57 = arith.constant dense<0.000000e+00> : vector<10000x32xf32>
    %dot_general3A_58 = tpu.matmul %max3A_53, %get3A_56, %dot_general3A_57 {dimension_numbers = #tpu.dot_dimension_numbers<[1], [0], [0], [1], [0, 0, 1, 1], [], []>, transpose_lhs_hint = false} : vector<10000x32xf32>, vector<32x32xf32>, vector<10000x32xf32> -> vector<10000x32xf32>
    %get3A_59 = arith.constant 0 : index
    %get3A_60 = arith.constant 0 : index
    %get3A_61 = vector.load %arg12[%get3A_59, %get3A_60] : memref<1x32xf32, #tpu.memory_space<vmem>>, vector<1x32xf32>
    %add3A_62 = vector.broadcast %get3A_61 : vector<1x32xf32> to vector<10000x32xf32>
    %add3A_63 = arith.addf %dot_general3A_58, %add3A_62 : vector<10000x32xf32>
    %max3A_64 = arith.constant 0.000000e+00 : f32
    %max3A_65 = vector.broadcast %max3A_64 : f32 to vector<10000x32xf32>
    %max3A_66 = arith.maximumf %add3A_63, %max3A_65 : vector<10000x32xf32>
    %swap3A = arith.constant 0 : index
    %swap3A_67 = arith.constant 0 : index
    %swap3A_68 = vector.load %arg13[%swap3A, %swap3A_67] : memref<10000x32xf32, #tpu.memory_space<vmem>>, vector<10000x32xf32>
    tpu.vector_store %arg13[%swap3A, %swap3A_67], %max3A_66 {strides = array<i32>} : memref<10000x32xf32, #tpu.memory_space<vmem>>, vector<10000x32xf32>,
    return
  }
}

module attributes {stable_mosaic.version = 14 : i64} {
  func.func @_value_body(%arg0: i32, %arg1: memref<1x32000xf32, #tpu.memory_space<vmem>>, %arg2: memref<64x32000xf32, #tpu.memory_space<vmem>>, %arg3: memref<1x64xf32, #tpu.memory_space<vmem>>, %arg4: memref<64x1xf32, #tpu.memory_space<vmem>>, %arg5: memref<1x1xf32, #tpu.memory_space<vmem>>, %arg6: memref<1x1xf32, #tpu.memory_space<vmem>>, %arg7: memref<1x64xf32, #tpu.memory_space<vmem>>) attributes {dimension_semantics = [#tpu.dimension_semantics<arbitrary>], iteration_bounds = array<i64: 10>, scalar_prefetch = 0 : i64, scratch_operands = 1 : i64, tpu.core_type = #tpu.core_type<tc>, window_params = [{transform_indices = @transform_0, window_bounds = array<i64: 1, 32000>}, {transform_indices = @transform_1, window_bounds = array<i64: 64, 32000>}, {pipeline_mode = #tpu.pipeline_mode<synchronous>, transform_indices = @transform_2, window_bounds = array<i64: 1, 64>}, {pipeline_mode = #tpu.pipeline_mode<synchronous>, transform_indices = @transform_3, window_bounds = array<i64: 64, 1>}, {pipeline_mode = #tpu.pipeline_mode<synchronous>, transform_indices = @transform_4, window_bounds = array<i64: 1, 1>}, {pipeline_mode = #tpu.pipeline_mode<synchronous>, transform_indices = @transform_5, window_bounds = array<i64: 1, 1>}]} {
    %eq3A = arith.constant 0 : i32
    %eq3A_0 = arith.cmpi eq, %arg0, %eq3A : i32
    %convert_element_type3A = arith.extui %eq3A_0 : i1 to i32
    %cond3A = arith.constant 0 : i32
    %cond3A_1 = arith.cmpi ne, %convert_element_type3A, %cond3A : i32
    scf.if %cond3A_1 {
      %broadcast_in_dim3A = arith.constant 0.000000e+00 : f32
      %broadcast_in_dim3A_18 = vector.broadcast %broadcast_in_dim3A : f32 to vector<1x64xf32>
      %swap3A_19 = arith.constant 0 : index
      %swap3A_20 = arith.constant 0 : index
      %swap3A_21 = vector.load %arg7[%swap3A_19, %swap3A_20] : memref<1x64xf32, #tpu.memory_space<vmem>>, vector<1x64xf32>
      tpu.vector_store %arg7[%swap3A_19, %swap3A_20], %broadcast_in_dim3A_18 {strides = array<i32>} : memref<1x64xf32, #tpu.memory_space<vmem>>, vector<1x64xf32>,
    } else {
    }
    %get3A = arith.constant 0 : index
    %get3A_2 = arith.constant 0 : index
    %get3A_3 = vector.load %arg7[%get3A, %get3A_2] : memref<1x64xf32, #tpu.memory_space<vmem>>, vector<1x64xf32>
    %get3A_4 = arith.constant 0 : index
    %get3A_5 = arith.constant 0 : index
    %get3A_6 = vector.load %arg1[%get3A_4, %get3A_5] : memref<1x32000xf32, #tpu.memory_space<vmem>>, vector<1x32000xf32>
    %get3A_7 = arith.constant 0 : index
    %get3A_8 = arith.constant 0 : index
    %get3A_9 = vector.load %arg2[%get3A_7, %get3A_8] : memref<64x32000xf32, #tpu.memory_space<vmem>>, vector<64x32000xf32>
    %dot_general3A = arith.constant dense<0.000000e+00> : vector<1x64xf32>
    %dot_general3A_10 = tpu.matmul %get3A_6, %get3A_9, %dot_general3A {dimension_numbers = #tpu.dot_dimension_numbers<[1], [1], [0], [0], [0, 0, 1, 0], [], []>, transpose_lhs_hint = false} : vector<1x32000xf32>, vector<64x32000xf32>, vector<1x64xf32> -> vector<1x64xf32>
    %add3A = arith.addf %get3A_3, %dot_general3A_10 : vector<1x64xf32>
    %swap3A = arith.constant 0 : index
    %swap3A_11 = arith.constant 0 : index
    %swap3A_12 = vector.load %arg7[%swap3A, %swap3A_11] : memref<1x64xf32, #tpu.memory_space<vmem>>, vector<1x64xf32>
    tpu.vector_store %arg7[%swap3A, %swap3A_11], %add3A {strides = array<i32>} : memref<1x64xf32, #tpu.memory_space<vmem>>, vector<1x64xf32>,
    %eq3A_13 = arith.constant 9 : i32
    %eq3A_14 = arith.cmpi eq, %arg0, %eq3A_13 : i32
    %convert_element_type3A_15 = arith.extui %eq3A_14 : i1 to i32
    %cond3A_16 = arith.constant 0 : i32
    %cond3A_17 = arith.cmpi ne, %convert_element_type3A_15, %cond3A_16 : i32
    scf.if %cond3A_17 {
      %get3A_18 = arith.constant 0 : index
      %get3A_19 = arith.constant 0 : index
      %get3A_20 = vector.load %arg7[%get3A_18, %get3A_19] : memref<1x64xf32, #tpu.memory_space<vmem>>, vector<1x64xf32>
      %get3A_21 = arith.constant 0 : index
      %get3A_22 = arith.constant 0 : index
      %get3A_23 = vector.load %arg3[%get3A_21, %get3A_22] : memref<1x64xf32, #tpu.memory_space<vmem>>, vector<1x64xf32>
      %add3A_24 = arith.addf %get3A_20, %get3A_23 : vector<1x64xf32>
      %max3A = arith.constant 0.000000e+00 : f32
      %max3A_25 = vector.broadcast %max3A : f32 to vector<1x64xf32>
      %max3A_26 = arith.maximumf %add3A_24, %max3A_25 : vector<1x64xf32>
      %get3A_27 = arith.constant 0 : index
      %get3A_28 = arith.constant 0 : index
      %get3A_29 = vector.load %arg4[%get3A_27, %get3A_28] : memref<64x1xf32, #tpu.memory_space<vmem>>, vector<64x1xf32>
      %dot_general3A_30 = arith.constant dense<0.000000e+00> : vector<1x1xf32>
      %dot_general3A_31 = tpu.matmul %max3A_26, %get3A_29, %dot_general3A_30 {dimension_numbers = #tpu.dot_dimension_numbers<[1], [0], [0], [1], [0, 0, 1, 1], [], []>, transpose_lhs_hint = false} : vector<1x64xf32>, vector<64x1xf32>, vector<1x1xf32> -> vector<1x1xf32>
      %get3A_32 = arith.constant 0 : index
      %get3A_33 = arith.constant 0 : index
      %get3A_34 = vector.load %arg5[%get3A_32, %get3A_33] : memref<1x1xf32, #tpu.memory_space<vmem>>, vector<1x1xf32>
      %add3A_35 = arith.addf %dot_general3A_31, %get3A_34 : vector<1x1xf32>
      %swap3A_36 = arith.constant 0 : index
      %swap3A_37 = arith.constant 0 : index
      %swap3A_38 = vector.load %arg6[%swap3A_36, %swap3A_37] : memref<1x1xf32, #tpu.memory_space<vmem>>, vector<1x1xf32>
      tpu.vector_store %arg6[%swap3A_36, %swap3A_37], %add3A_35 {strides = array<i32>} : memref<1x1xf32, #tpu.memory_space<vmem>>, vector<1x1xf32>,
    } else {
    }
    return
  }
  func.func @transform_0(%arg0: i32) -> (i32, i32) {
    %c0_i32 = arith.constant 0 : i32
    %c0_i32_0 = arith.constant 0 : i32
    return %c0_i32, %arg0 : i32, i32
  }
  func.func @transform_1(%arg0: i32) -> (i32, i32) {
    %c0_i32 = arith.constant 0 : i32
    %c0_i32_0 = arith.constant 0 : i32
    return %c0_i32, %arg0 : i32, i32
  }
  func.func @transform_2(%arg0: i32) -> (i32, i32) {
    %c0_i32 = arith.constant 0 : i32
    %c0_i32_0 = arith.constant 0 : i32
    %c0_i32_1 = arith.constant 0 : i32
    return %c0_i32, %c0_i32_0 : i32, i32
  }
  func.func @transform_3(%arg0: i32) -> (i32, i32) {
    %c0_i32 = arith.constant 0 : i32
    %c0_i32_0 = arith.constant 0 : i32
    %c0_i32_1 = arith.constant 0 : i32
    return %c0_i32, %c0_i32_0 : i32, i32
  }
  func.func @transform_4(%arg0: i32) -> (i32, i32) {
    %c0_i32 = arith.constant 0 : i32
    %c0_i32_0 = arith.constant 0 : i32
    %c0_i32_1 = arith.constant 0 : i32
    return %c0_i32, %c0_i32_0 : i32, i32
  }
  func.func @transform_5(%arg0: i32) -> (i32, i32) {
    %c0_i32 = arith.constant 0 : i32
    %c0_i32_0 = arith.constant 0 : i32
    %c0_i32_1 = arith.constant 0 : i32
    return %c0_i32, %c0_i32_0 : i32, i32
  }
}

</mosaic_0001>

<sc_bundles>
// kernel: kernel.10.cloned.1.call-start
scs
__scs_entry_jumppad:
0x0: {  	(pc) =	sbr.rel $0x88, $3  }
0x1: {  	(tag) =	ssettag $0x0;
	lr =	simm.s32 $0x1  }
0x2: {  	[smem:$0x3F8E] =	sst lr;
	_ =	strace $0xD0000000  }
0x3: {  	_ = 	snop  }
0x4: {  	_ = 	snop  }
0x5: {  	_ = 	snop  }
0x6: {  	_ = 	snop  }
0x7: {  	_ = 	snop  }
__scs_overlays_trampoline_lowered:
0x8: {  	[smem:$0x3F9D] =	sst s0  }
0x9: {  	[smem:$0x3F9E] =	sst s1  }
0xa: {  	[smem:$0x3F9F] =	sst s2  }
0xb: {  	[smem:$0x3FA0] =	sst s3  }
0xc: {  	[smem:$0x3FA1] =	sst s4  }
0xd: {  	[smem:$0x3FA2] =	sst s5  }
0xe: {  	[smem:$0x3FA3] =	sst s6  }
0xf: {  	[smem:$0x3FA4] =	sst s7  }
0x10: {  	[smem:$0x3FA5] =	sst s8  }
0x11: {  	[smem:$0x3FA6] =	sst s9;
	s0 =	simm.s32 @!p0 $0x0  }
0x12: {  	s1 =	sld [smem:$0x3F8C];
	s0 =	simm.s32 @p0 $0x1  }
0x13: {  	[smem:$0x3FA7] =	sst s0;
	s0 =	simm.s32 @!p1 $0x0  }
0x14: {  	s2 =	sld [smem:$0x3F8B];
	s0 =	simm.s32 @p1 $0x1  }
0x15: {  	[smem:$0x3FA8] =	sst s0;
	s0 =	simm.s32 @!p2 $0x0  }
0x16: {  	s3 =	sld [smem:$0x3FDB];
	s0 =	simm.s32 @p2 $0x1  }
0x17: {  	s4 =	simm.s32 $0x1BF5;
	[smem:$0x3FAA] =	sst s0  }
0x18: {  	s0 =	sld [smem:$0x3F8D];
	_ =	swait.ge [sflag:s4], $0x0  }
0x19: {  	s7 =	sld [smem:$0x3F8E]  }
0x1a: {  	s8 =	sadd.s32 $0xFFFFE003, lr  }
0x1b: {  	s9 =	sadd.s32 $0xFFFFFEF7, lr;
	s5 =	simm.s32 $0xFFFFFFFF;
	p2 =	slt.u32 s8, $0xFFFFF086  }
0x1c: {  	p1 =	slt.u32 s9, $0xF7A;
	s5 =	simm.s32 @!p2 $0x0  }
0x1d: {  	s5 =	simm.s32 @p1 $0x1;
	p0 =	seq.s32 s7, s2  }
0x1e: {  	s7 =	smul.u32 @!p0 $0xF7A, s2;
	p2 =	seq.s32 @!p0 s5, $0x0  }
0x1f: {  	s9 =	smul.u32 $0xF7A, s1;
	s8 =	simm.s32 @!p0 $0x1BF5;
	p2 =	por !p2, p0  }
0x20: {  	[sflag:s8] =	ssyncset.s32 @!p0 $0xFFFFF086;
	s6 =	sadd.s32 @!p0 s3, s7;
	s7 =	simm.s32 @!p0 $0x108  }
0x21: {  	s3 =	sadd.s32 s3, s9;
	s6 =	sadd.s32 @!p0 $0x88, s6;
	s7 =	simm.s32 @p2 $0x1082  }
0x22: {  	[simem:s7], [sflag:s8] =	dma.local @!p0 [hbm:s6], $0xF7A  }
0x23: {  	s9 =	sor.u32 $0xD0000000, s2;
	s6 =	simm.s32 $0x108;
	_ =	swait.ge @!p0 [sflag:s8], $0x0  }
0x24: {  	s3 =	sadd.s32 $0x88, s3;
	s6 =	simm.s32 @!p1 $0x1082;
	[sflag:s4] =	ssyncset.s32 $0xFFFFF086  }
0x25: {  	[simem:s6], [sflag:s4] =	dma.local [hbm:s3], $0xF7A  }
0x26: {  	[smem:$0x3F8E] =	sst s1;
	(tag) =	ssettag s2;
	_ =	strace s9  }
0x27: {  	s1 =	sld [smem:$0x3F9E]  }
0x28: {  	s2 =	sld [smem:$0x3F9F]  }
0x29: {  	s4 =	sld [smem:$0x3FA1]  }
0x2a: {  	p0 =	seq.s32 s5, $0x0;
	s5 =	sld [smem:$0x3FA2]  }
0x2b: {  	s6 =	sld [smem:$0x3FA3]  }
0x2c: {  	s7 =	sld [smem:$0x3FA4]  }
0x2d: {  	s3 =	simm.s32 $0x108;
	s8 =	sld [smem:$0x3FA5]  }
0x2e: {  	s3 =	simm.s32 @!p0 $0x1082;
	s9 =	sld [smem:$0x3FA6]  }
0x2f: {  	lr =	sadd.s32 s0, s3;
	s0 =	sld [smem:$0x3F9D]  }
0x30: {  	s3 =	sld [smem:$0x3FA0]  }
0x31: {  	[smem:$0x3FA9] =	sst s10  }
0x32: {  	s10 =	sld [smem:$0x3FA7];
	_ =	sdelay $0x3  }
0x33: {  	p0 =	seq.s32 s10, $0x1;
	s10 =	sld [smem:$0x3FA9];
	_ =	sdelay $0x3  }
0x34: {  	[smem:$0x3FA9] =	sst s10  }
0x35: {  	s10 =	sld [smem:$0x3FA8];
	_ =	sdelay $0x3  }
0x36: {  	p1 =	seq.s32 s10, $0x1;
	s10 =	sld [smem:$0x3FA9];
	_ =	sdelay $0x3  }
0x37: {  	[smem:$0x3FA9] =	sst s10  }
0x38: {  	s10 =	sld [smem:$0x3FAA]  }
0x39: {  	_ = 	snop;
	(pc) =	sbr.ind lr, $3  }
0x3a: {  	_ = 	snop  }
0x3b: {  	_ = 	snop  }
0x3c: {  	p2 =	seq.s32 s10, $0x1;
	s10 =	sld [smem:$0x3FA9]  }
0x3d: {  	_ =	shalt  }
0x3e: {  	_ =	shalt  }
0x3f: {  	_ =	shalt  }
0x40: {  	_ =	shalt  }
0x41: {  	_ =	shalt  }
0x42: {  	_ =	shalt  }
0x43: {  	_ =	shalt  }
0x44: {  	_ =	shalt  }
0x45: {  	_ =	shalt  }
0x46: {  	_ =	shalt  }
0x47: {  	_ =	shalt  }
0x48: {  	_ =	shalt  }
0x49: {  	_ =	shalt  }
0x4a: {  	_ =	shalt  }
0x4b: {  	_ =	shalt  }
0x4c: {  	_ =	shalt  }
0x4d: {  	_ =	shalt  }
0x4e: {  	_ =	shalt  }
0x4f: {  	_ =	shalt  }
0x50: {  	_ =	shalt  }
0x51: {  	_ =	shalt  }
0x52: {  	_ =	shalt  }
0x53: {  	_ =	shalt  }
0x54: {  	_ =	shalt  }
0x55: {  	_ =	shalt  }
0x56: {  	_ =	shalt  }
0x57: {  	_ =	shalt  }
0x58: {  	_ =	shalt  }
0x59: {  	_ =	shalt  }
0x5a: {  	_ =	shalt  }
0x5b: {  	_ =	shalt  }
0x5c: {  	_ =	shalt  }
0x5d: {  	_ =	shalt  }
0x5e: {  	_ =	shalt  }
0x5f: {  	_ =	shalt  }
0x60: {  	_ =	shalt  }
0x61: {  	_ =	shalt  }
0x62: {  	_ =	shalt  }
0x63: {  	_ =	shalt  }
0x64: {  	_ =	shalt  }
0x65: {  	_ =	shalt  }
0x66: {  	_ =	shalt  }
0x67: {  	_ =	shalt  }
0x68: {  	_ =	shalt  }
0x69: {  	_ =	shalt  }
0x6a: {  	_ =	shalt  }
0x6b: {  	_ =	shalt  }
0x6c: {  	_ =	shalt  }
0x6d: {  	_ =	shalt  }
0x6e: {  	_ =	shalt  }
0x6f: {  	_ =	shalt  }
0x70: {  	_ =	shalt  }
0x71: {  	_ =	shalt  }
0x72: {  	_ =	shalt  }
0x73: {  	_ =	shalt  }
0x74: {  	_ =	shalt  }
0x75: {  	_ =	shalt  }
0x76: {  	_ =	shalt  }
0x77: {  	_ =	shalt  }
0x78: {  	_ =	shalt  }
0x79: {  	_ =	shalt  }
0x7a: {  	_ =	shalt  }
0x7b: {  	_ =	shalt  }
0x7c: {  	_ =	shalt  }
0x7d: {  	_ =	shalt  }
0x7e: {  	_ =	shalt  }
0x7f: {  	_ =	shalt  }
0x80: {  	_ =	shalt  }
0x81: {  	_ =	shalt  }
0x82: {  	_ =	shalt  }
0x83: {  	_ =	shalt  }
0x84: {  	_ =	shalt  }
0x85: {  	_ =	shalt  }
0x86: {  	_ =	shalt  }
0x87: {  	_ =	shalt  }
.Lfunc_end0:
.L_simem_size_0:
called_computation.1_lowered:
.L_overlay_start_0:
0x88: {  	s2 =	sld [smem:$0x3FD9]  }
0x89: {  	s3 =	sld [smem:$0x3FFE];
	_ =	sdelay $0x1  }
0x8a: {  	s1 =	srdreg.scid  }
0x8b: {  	s0 =	sand.u32 $0x1, s1  }
0x8c: {  	s16 =	sshll.u32 s0, $0xA;
	s2 =	sadd.s32 s3, s2  }
0x8d: {  	s2 =	sadd.s32 s2, s16  }
0x8e: {  	[smem:$0x3FB5] =	sst s2  }
0x8f: {  	_ = 	snop  }
0x90: {  	(tm) =	ssettm $0x1  }
0x91: {  	s17 =	sld [smem:$0x3FFB];
	_ =	sdelay $0x3  }
0x92: {  	_ =	strace s17  }
0x93: {  	s2 =	sld [smem:$0x3FFC];
	_ =	sdelay $0x3  }
0x94: {  	_ =	strace s2  }
0x95: {  	s2 =	sld [smem:$0x3FFD];
	_ =	sdelay $0x3  }
0x96: {  	_ =	strace s2  }
0x97: {  	_ =	strace $0x8FFFFFFF  }
0x98: {  	s18 =	sld [smem:$0x3FDB];
	_ =	sdelay $0x1  }
0x99: {  	s19 =	simm.s32 $_scs_section_size  }
0x9a: {  	s4 =	simm.s32 $_size__tile_overlayer_lowered;
	s5 =	simm.s32 $_tile_overlayer_lowered  }
0x9b: {  	s22 =	simm.s32 $0x1BFF;
	s21 =	sshll.u32 s5, $0x1;
	s2 =	sadd.s32 s19, s18  }
0x9c: {  	s6 =	simm.s32 $0x0;
	s20 =	sshll.u32 s4, $0x1;
	s4 =	sadd.s32 s21, s2  }
0x9d: {  	[timem:s6], [sflag:s22] =	dma.local [hbm:s4], s20  }
0x9e: {  	_ =	swait.ge [sflag:s22], s20  }
0x9f: {  	s3 =	ssub.s32 $0x0, s20;
	[sflag:s22] =	ssyncset.done $0x0  }
0xa0: {  	[sflag:s22] =	ssyncadd.s32 s3;
	_ =	sdelay $0x1  }
0xa1: {  	s23 =	simm.s32 $0x1B8B  }
0xa2: {  	_ =	swait.ge [sflag:s23], $0x1  }
0xa3: {  	[sflag:s23] =	ssyncset.done $0x0  }
0xa4: {  	s25 =	simm.s32 $0x1B8E;
	s24 =	sld [smem:$0x3FFE];
	[sflag:s23] =	ssyncadd.s32 $0xFFFFFFFF  }
0xa5: {  	s26 =	simm.s32 $execute0_lowered;
	[smem:$0x3FD2] =	sst s25  }
0xa6: {  	s4 =	sshll.u32 s26, $0x1;
	_ =	strace $0x80000049;
	[dreg:$0x1] =	wrdreg $0xFFFFFFFF  }
0xa7: {  	s28 =	simm.s32 $_size_execute0_lowered;
	s2 =	sadd.s32 s2, s4;
	[dreg:$0x0] =	wrdreg $0x0  }
0xa8: {  	s4 =	sshll.u32 s28, $0x1;
	[dreg:$0x2] =	wrdreg s2  }
0xa9: {  	[dreg:$0x3] =	wrdreg s4  }
0xaa: {  	[dreg:$0x4] =	wrdreg $0xC0  }
0xab: {  	_ =	task [dreg:s6], $0x5FFFF  }
0xac: {  	[dreg:$0x1] =	wrdreg $0xFFFFFFFF  }
0xad: {  	[dreg:$0x0] =	wrdreg $0x60  }
0xae: {  	[dreg:$0x2] =	wrdreg s24  }
0xaf: {  	[dreg:$0x3] =	wrdreg $0xBE400  }
0xb0: {  	[dreg:$0x4] =	wrdreg $0x9  }
0xb1: {  	_ =	task.clear_ibuf [dreg:s6], $0x5FFFF;
	_ =	strace $0x90000049  }
0xb2: {  	s29 =	simm.s32 $0x9;
	_ =	strace $0x8000004B  }
0xb3: {  	_ =	swait.ge [sflag:s29], $0x1  }
0xb4: {  	[sflag:s29] =	ssyncadd.s32 $0xFFFFFFFF  }
0xb5: {  	_ =	strace $0x9000004B  }
0xb6: {  	_ =	sfence  }
0xb7: {  	s30 =	sld [smem:$0x0];
	_ =	sdelay $0x2  }
0xb8: {  	s31 =	sshll.u32 s1, $0xD;
	s1 =	sshrl.u32 s1, $0x2  }
0xb9: {  	s3 =	sand.u32 $0x4000, s31;
	s1 =	sadd.s32 s1, s30  }
0xba: {  	s0 =	sor.u32 s3, s0;
	s1 =	sshll.u32 s1, $0x11  }
0xbb: {  	s0 =	sor.u32 s1, s0  }
0xbc: {  	s0 =	sadd.s32 $0x8F2B, s0  }
0xbd: {  	[sflag:s0] =	ssyncadd.remote.s32 $0x1  }
0xbe: {  	_ =	sfence.sel $0xFFFF  }
0xbf: {  	[dreg:$0x0] =	wrdreg $0xFFFFFFFF;
	(pc) =	sbr.abs _section_cstart, $3  }
0xc0: {  	[dreg:$0x1] =	wrdreg $0xFFFFFFFF  }
0xc1: {  	_ =	task.clear_ibuf [dreg:s6], $0x2FFFF;
	_ =	strace $0x9FFFFFFF  }
0xc2: {  	(tm) =	ssettm $0x7FFFFFFF  }
0xc3: {  	_ =	shalt  }
tec
execute0_lowered:
.L_overlay_start_1:
0x0: {  	(tag) =	ssettag $0x1  }
0x1: {  	s1 =	srdreg.scid  }
0x2: {  	s0 =	stileid.u32;
	s6 =	rddreg [dreg:$0x0]  }
0x3: {  	s2 =	rddreg [dreg:$0x1];
	s3 =	simm.s32 $0x0;
	s13 =	simm.s32 $0x7D  }
0x4: {  	s14 =	simm.s32 $0x5000;
	s15 =	simm.s32 $0x2;
	s16 =	simm.s32 $0x4F80  }
0x5: {  	s17 =	simm.s32 $0x5FA0;
	s18 =	simm.s32 $0x0;
	s5 =	sand.u32 $0x1, s1  }
0x6: {  	s31 =	sshll.u32 s0, $0x1;
	s8 =	smul.u32 $0x4F00, s0;
	[smem:$0x7FF] =	sst s3  }
0x7: {  	s1 =	sor.u32 s5, s31;
	s7 =	smul.u32 $0x4F000, s5;
	s10 =	ssub.s32 $0x2, s5  }
0x8: {  	s5 =	sadd.s32 $0x34E00, s6;
	s4 =	smul.u32 $0x500, s1;
	s1 =	rddreg [dreg:$0x2]  }
0x9: {  	_ =	strace $0x8000004A;
	s11 =	sshrl.u32 s10, $0x1;
	s7 =	sadd.s32 s8, s7  }
0xa: {  	s10 =	ssub.s32 s10, s11;
	s8 =	sadd.s32 s8, s2;
	s11 =	simm.s32 $0x3  }
0xb: {  	s9 =	sadd.s32 s4, s6;
	s4 =	sadd.s32 $0x67000, s6;
	s7 =	sshrl.u32 s7, $0x3  }
0xc: {  	s10 =	smax.u32 s10, $0x1;
	s12 =	sadd.s32 s7, s6;
	s6 =	sadd.s32 $0x35E00, s9  }
0xd: {  	s7 =	sadd.s32 $0x3C00, s9;
	s9 =	sadd.s32 $0x70E00, s12;
	s12 =	simm.s32 $0x6F40  }
.LBB2_1:
0xe: {  	[tilespmem:s3], [sflag:$0x3] =	stream.linear.gather [hbm4b:s6+s3], $0x2800, $0x38;
	[tilespmem:$0x10D40] =	vst v63  }
0xf: {  	_ =	swait.ge [sflag:s11], $0x2800  }
0x10: {  	[sflag:s11] =	ssyncset.done $0x0  }
0x11: {  	s19 =	simm.s32 $0x2800;
	[sflag:s11] =	ssyncadd.s32 $0xFFFFD800  }
0x12: {  	[tilespmem:s19], [sflag:$0x3] =	stream.linear.gather [hbm4b:s7+s3], $0x2800, $0x38;
	[tilespmem:$0x10D40] =	vst v63  }
0x13: {  	_ =	swait.ge [sflag:s11], $0x2800  }
0x14: {  	[sflag:s11] =	ssyncset.done $0x0  }
0x15: {  	[sflag:s11] =	ssyncadd.s32 $0xFFFFD800  }
0x16: {  	[tilespmem:s12], [sflag:$0x3] =	stream.linear.gather [hbm4b:s5+s3], $0x4F00, $0x38;
	[tilespmem:$0x10D40] =	vst v63  }
0x17: {  	_ =	swait.ge [sflag:s11], $0x4F00  }
0x18: {  	[sflag:s11] =	ssyncset.done $0x0  }
0x19: {  	[sflag:s11] =	ssyncadd.s32 $0xFFFFB100  }
0x1a: {  	[spmem:s8] =	stream.linear.scatter [tilespmem:s12], [sflag:$0x3], $0x4F00, $0x38;
	[tilespmem:$0x10D40] =	vst v63  }
0x1b: {  	_ =	swait.ge [sflag:s11], $0x4F00  }
0x1c: {  	[sflag:s11] =	ssyncset.done $0x0  }
0x1d: {  	s20 =	sand.u32 $0x1, s3;
	[sflag:s11] =	ssyncadd.s32 $0xFFFFB100  }
0x1e: {  	s21 =	simm.s32 $0x80;
	p0 =	seq.s32 s20, $0x1;
	[bflag:$0x0] =	sbarrier.arrive $0xFFFF  }
0x1f: {  	[tilespmem:s14], [sflag:$0x1] =	stream.indirect.gather [hbm4b:s4+s13], $0x20, s3, s13, $0xb8;
	[tilespmem:$0x10D40] =	vst v63  }
0x20: {  	s20 =	simm.s32 @p0 $0x7D;
	s22 =	simm.s32 @p0 $0x5000;
	s23 =	simm.s32 @p0 $0x2  }
0x21: {  	[tilespmem:s22], [sflag:$0x1] =	stream.indirect.gather @p0 [hbm4b:s4+s20], $0x20, s21, s20, $0xb8;
	[tilespmem:$0x10D40] =	vst v63  }
0x22: {  	_ =	swait.ge @p0 [sflag:s23], $0xFA0  }
0x23: {  	[sflag:s23] =	ssyncset.done @p0 $0x0  }
0x24: {  	s22 =	simm.s32 @p0 $0x5FA0;
	[sflag:s23] =	ssyncadd.s32 @p0 $0xFFFFF060  }
0x25: {  	[spmem:s2] =	stream.indirect.scatter.add.f32 @p0 [tilespmem:s22], [sflag:$0x3], $0x20, s19, s20, $0xb8;
	[tilespmem:$0x10D40] =	vst v63  }
0x26: {  	s23 =	simm.s32 @!p0 $0x1;
	s20 =	simm.s32 @!p0 $0x7D;
	s22 =	simm.s32 @!p0 $0x5FA0  }
0x27: {  	[tilespmem:s22], [sflag:$0x2] =	stream.indirect.gather @!p0 [hbm4b:s4+s20], $0x20, s21, s20, $0xb8;
	[tilespmem:$0x10D40] =	vst v63  }
0x28: {  	_ =	swait.ge @!p0 [sflag:s23], $0xFA0  }
0x29: {  	s24 =	simm.s32 $0x1;
	s22 =	simm.s32 @!p0 $0x4;
	[sflag:s23] =	ssyncset.done @!p0 $0x0  }
0x2a: {  	s21 =	simm.s32 @!p0 $0x5000;
	s22 =	simm.s32 @p0 $0x3;
	[sflag:s23] =	ssyncadd.s32 @!p0 $0xFFFFF060  }
0x2b: {  	[spmem:s2] =	stream.indirect.scatter.add.f32 @!p0 [tilespmem:s21], [sflag:$0x4], $0x20, s19, s20, $0xb8;
	[tilespmem:$0x10D40] =	vst v63  }
0x2c: {  	s23 =	sand.u32 $0x1, s24;
	s21 =	simm.s32 $0x2;
	_ =	swait.ge [sflag:s22], $0xFA0  }
0x2d: {  	s20 =	simm.s32 $0x100;
	s19 =	simm.s32 $0x2880;
	[sflag:s22] =	ssyncset.done $0x0  }
.LBB2_2:
0x2e: {  	p0 =	seq.s32 s23, $0x1  }
0x2f: {  	[sflag:s22] =	ssyncadd.s32 $0xFFFFF060;
	s23 =	smov.u32 s21;
	s21 =	sadd.s32 $0x1, s21  }
0x30: {  	s24 =	simm.s32 @p0 $0x7D;
	s22 =	simm.s32 @p0 $0x5000;
	s25 =	simm.s32 @p0 $0x2  }
0x31: {  	[tilespmem:s22], [sflag:$0x1] =	stream.indirect.gather @p0 [hbm4b:s4+s24], $0x20, s20, s24, $0xb8;
	[tilespmem:$0x10D40] =	vst v63  }
0x32: {  	p1 =	sne.s32 s21, $0x4F;
	s22 =	simm.s32 @!p0 $0x4;
	_ =	swait.ge @p0 [sflag:s25], $0xFA0  }
0x33: {  	[sflag:s25] =	ssyncset.done @p0 $0x0  }
0x34: {  	[sflag:s25] =	ssyncadd.s32 @p0 $0xFFFFF060;
	s25 =	simm.s32 @p0 $0x5FA0  }
0x35: {  	[spmem:s2] =	stream.indirect.scatter.add.f32 @p0 [tilespmem:s25], [sflag:$0x3], $0x20, s19, s24, $0xb8;
	[tilespmem:$0x10D40] =	vst v63  }
0x36: {  	s26 =	simm.s32 @!p0 $0x1;
	s24 =	simm.s32 @!p0 $0x7D;
	s25 =	simm.s32 @!p0 $0x5FA0  }
0x37: {  	[tilespmem:s25], [sflag:$0x2] =	stream.indirect.gather @!p0 [hbm4b:s4+s24], $0x20, s20, s24, $0xb8;
	[tilespmem:$0x10D40] =	vst v63  }
0x38: {  	_ =	swait.ge @!p0 [sflag:s26], $0xFA0  }
.Ltmp0:
0x39: {  	[sflag:s26] =	ssyncset.done @!p0 $0x0;
	(pc) =	sbr.rel @p1 .LBB2_2-.Ltmp0, $4  }
0x3a: {  	s22 =	simm.s32 @p0 $0x3;
	s25 =	simm.s32 @!p0 $0x5000;
	[sflag:s26] =	ssyncadd.s32 @!p0 $0xFFFFF060  }
0x3b: {  	[spmem:s2] =	stream.indirect.scatter.add.f32 @!p0 [tilespmem:s25], [sflag:$0x4], $0x20, s19, s24, $0xb8;
	[tilespmem:$0x10D40] =	vst v63  }
0x3c: {  	s20 =	sadd.s32 $0x80, s20;
	_ =	swait.ge [sflag:s22], $0xFA0  }
0x3d: {  	s23 =	sand.u32 $0x1, s23;
	s19 =	sadd.s32 $0x80, s19;
	[sflag:s22] =	ssyncset.done $0x0  }
0x3e: {  	p0 =	seq.s32 s23, $0x1;
	[sflag:s22] =	ssyncadd.s32 $0xFFFFF060  }
0x3f: {  	s21 =	simm.s32 @p0 $0x7D;
	s22 =	simm.s32 @p0 $0x5000;
	s23 =	simm.s32 @p0 $0x2  }
0x40: {  	[tilespmem:s22], [sflag:$0x1] =	stream.indirect.gather @p0 [hbm4b:s4+s21], $0x20, s20, s21, $0xb8;
	[tilespmem:$0x10D40] =	vst v63  }
0x41: {  	_ =	swait.ge @p0 [sflag:s23], $0xFA0  }
0x42: {  	[sflag:s23] =	ssyncset.done @p0 $0x0  }
0x43: {  	s22 =	simm.s32 @p0 $0x5FA0;
	[sflag:s23] =	ssyncadd.s32 @p0 $0xFFFFF060  }
0x44: {  	[spmem:s2] =	stream.indirect.scatter.add.f32 @p0 [tilespmem:s22], [sflag:$0x3], $0x20, s19, s21, $0xb8;
	[tilespmem:$0x10D40] =	vst v63  }
0x45: {  	s23 =	simm.s32 @!p0 $0x1;
	s21 =	simm.s32 @!p0 $0x7D;
	s22 =	simm.s32 @!p0 $0x5FA0  }
0x46: {  	[tilespmem:s22], [sflag:$0x2] =	stream.indirect.gather @!p0 [hbm4b:s4+s21], $0x20, s20, s21, $0xb8;
	[tilespmem:$0x10D40] =	vst v63  }
0x47: {  	_ =	swait.ge @!p0 [sflag:s23], $0xFA0  }
0x48: {  	s20 =	simm.s32 @!p0 $0x4;
	[sflag:s23] =	ssyncset.done @!p0 $0x0  }
0x49: {  	s22 =	simm.s32 @!p0 $0x5000;
	s20 =	simm.s32 @p0 $0x3;
	[sflag:s23] =	ssyncadd.s32 @!p0 $0xFFFFF060  }
0x4a: {  	[spmem:s2] =	stream.indirect.scatter.add.f32 @!p0 [tilespmem:s22], [sflag:$0x4], $0x20, s19, s21, $0xb8;
	[tilespmem:$0x10D40] =	vst v63  }
0x4b: {  	_ =	swait.ge [sflag:s20], $0xFA0  }
0x4c: {  	[sflag:s20] =	ssyncset.done $0x0  }
0x4d: {  	[sflag:s20] =	ssyncadd.s32 $0xFFFFF060  }
0x4e: {  	_ =	swait.ge [sflag:s15], $0xFA0  }
0x4f: {  	[sflag:s15] =	ssyncset.done $0x0  }
0x50: {  	[sflag:s15] =	ssyncadd.s32 $0xFFFFF060  }
0x51: {  	[spmem:s2] =	stream.indirect.scatter.add.f32 [tilespmem:s17], [sflag:$0x3], $0x20, s16, s13, $0xb8;
	[tilespmem:$0x10D40] =	vst v63  }
0x52: {  	_ =	swait.ge [sflag:s11], $0xFA0  }
0x53: {  	s30 =	sshll.u32 s0, $0x6;
	s18 =	sadd.s32 $0x1, s18;
	[sflag:s11] =	ssyncset.done $0x0  }
0x54: {  	s31 =	sshrl.u32 s8, $0x3;
	p0 =	sne.s32 s18, s10;
	[sflag:s11] =	ssyncadd.s32 $0xFFFFF060  }
.Ltmp1:
0x55: {  	s19 =	sor.u32 $0x1C03, s30;
	[bflag:$0x0] =	sbarrier.arrive $0xFFFF;
	(pc) =	sbr.rel @p0 .LBB2_1-.Ltmp1, $4  }
0x56: {  	[hbm:s9], [sflag:s19] =	dma.local [spmem:s31], $0x9E0  }
0x57: {  	_ =	swait.ge [sflag:s11], $0x9E0  }
0x58: {  	[sflag:s11] =	ssyncset.done $0x0  }
0x59: {  	[sflag:s11] =	ssyncadd.s32 $0xFFFFF620  }
0x5a: {  	_ =	sfence.sel $0x180000  }
0x5b: {  	[bflag:$0x0] =	sbarrier.arrive $0xFFFF  }
0x5c: {  	p0 =	sne.s32 s0, $0x0;
	_ =	strace $0x9000004A  }
0x5d: {  	s0 =	sadd.s32 @!p0 $0x100000, s1;
	[bflag:$0x2] =	sbarrier.arrive $0xFFFF  }
0x5e: {  	[sflag:s0] =	ssyncadd.tile.s32 @!p0 $0x1;
	_ =	shalt  }
.Lfunc_end2:
_tile_overlayer_lowered:
.L_overlay_start_2:
0x5f: {  	(tag) =	ssettag $0x2  }
0x60: {  	s0 =	rddreg [dreg:$0x0];
	s2 =	stileid.u32  }
0x61: {  	s1 =	rddreg [dreg:$0x1];
	p0 =	sne.s32 s2, $0x0  }
0x62: {  	s3 =	rddreg [dreg:$0x2];
	[bflag:$0x3] =	sbarrier.arrive $0xFFFF;
	s2 =	simm.s32 @!p0 $0x1C03  }
0x63: {  	[timem:s3], [sflag:s2] =	dma.local @!p0 [hbm:s0], s1  }
0x64: {  	s0 =	simm.s32 @!p0 $0x3  }
0x65: {  	_ =	swait.ge @!p0 [sflag:s0], s1  }
0x66: {  	s1 =	ssub.s32 @!p0 $0x0, s1;
	[sflag:s0] =	ssyncset.done @!p0 $0x0  }
0x67: {  	[sflag:s0] =	ssyncadd.s32 @!p0 s1  }
0x68: {  	[bflag:$0x3] =	sbarrier.arrive $0xFFFF  }
0x69: {  	_ =	shalt  }

// kernel: kernel.7.cloned.1.call-start
scs
__scs_entry_jumppad:
0x0: {  	(pc) =	sbr.rel $0x88, $3  }
0x1: {  	(tag) =	ssettag $0x0;
	lr =	simm.s32 $0x1  }
0x2: {  	[smem:$0x3F8E] =	sst lr;
	_ =	strace $0xD0000000  }
0x3: {  	_ = 	snop  }
0x4: {  	_ = 	snop  }
0x5: {  	_ = 	snop  }
0x6: {  	_ = 	snop  }
0x7: {  	_ = 	snop  }
__scs_overlays_trampoline_lowered:
0x8: {  	[smem:$0x3F9D] =	sst s0  }
0x9: {  	[smem:$0x3F9E] =	sst s1  }
0xa: {  	[smem:$0x3F9F] =	sst s2  }
0xb: {  	[smem:$0x3FA0] =	sst s3  }
0xc: {  	[smem:$0x3FA1] =	sst s4  }
0xd: {  	[smem:$0x3FA2] =	sst s5  }
0xe: {  	[smem:$0x3FA3] =	sst s6  }
0xf: {  	[smem:$0x3FA4] =	sst s7  }
0x10: {  	[smem:$0x3FA5] =	sst s8  }
0x11: {  	[smem:$0x3FA6] =	sst s9;
	s0 =	simm.s32 @!p0 $0x0  }
0x12: {  	s1 =	sld [smem:$0x3F8C];
	s0 =	simm.s32 @p0 $0x1  }
0x13: {  	[smem:$0x3FA7] =	sst s0;
	s0 =	simm.s32 @!p1 $0x0  }
0x14: {  	s2 =	sld [smem:$0x3F8B];
	s0 =	simm.s32 @p1 $0x1  }
0x15: {  	[smem:$0x3FA8] =	sst s0;
	s0 =	simm.s32 @!p2 $0x0  }
0x16: {  	s3 =	sld [smem:$0x3FDB];
	s0 =	simm.s32 @p2 $0x1  }
0x17: {  	s4 =	simm.s32 $0x1BF5;
	[smem:$0x3FAA] =	sst s0  }
0x18: {  	s0 =	sld [smem:$0x3F8D];
	_ =	swait.ge [sflag:s4], $0x0  }
0x19: {  	s7 =	sld [smem:$0x3F8E]  }
0x1a: {  	s8 =	sadd.s32 $0xFFFFE003, lr  }
0x1b: {  	s9 =	sadd.s32 $0xFFFFFEF7, lr;
	s5 =	simm.s32 $0xFFFFFFFF;
	p2 =	slt.u32 s8, $0xFFFFF086  }
0x1c: {  	p1 =	slt.u32 s9, $0xF7A;
	s5 =	simm.s32 @!p2 $0x0  }
0x1d: {  	s5 =	simm.s32 @p1 $0x1;
	p0 =	seq.s32 s7, s2  }
0x1e: {  	s7 =	smul.u32 @!p0 $0xF7A, s2;
	p2 =	seq.s32 @!p0 s5, $0x0  }
0x1f: {  	s9 =	smul.u32 $0xF7A, s1;
	s8 =	simm.s32 @!p0 $0x1BF5;
	p2 =	por !p2, p0  }
0x20: {  	[sflag:s8] =	ssyncset.s32 @!p0 $0xFFFFF086;
	s6 =	sadd.s32 @!p0 s3, s7;
	s7 =	simm.s32 @!p0 $0x108  }
0x21: {  	s3 =	sadd.s32 s3, s9;
	s6 =	sadd.s32 @!p0 $0x88, s6;
	s7 =	simm.s32 @p2 $0x1082  }
0x22: {  	[simem:s7], [sflag:s8] =	dma.local @!p0 [hbm:s6], $0xF7A  }
0x23: {  	s9 =	sor.u32 $0xD0000000, s2;
	s6 =	simm.s32 $0x108;
	_ =	swait.ge @!p0 [sflag:s8], $0x0  }
0x24: {  	s3 =	sadd.s32 $0x88, s3;
	s6 =	simm.s32 @!p1 $0x1082;
	[sflag:s4] =	ssyncset.s32 $0xFFFFF086  }
0x25: {  	[simem:s6], [sflag:s4] =	dma.local [hbm:s3], $0xF7A  }
0x26: {  	[smem:$0x3F8E] =	sst s1;
	(tag) =	ssettag s2;
	_ =	strace s9  }
0x27: {  	s1 =	sld [smem:$0x3F9E]  }
0x28: {  	s2 =	sld [smem:$0x3F9F]  }
0x29: {  	s4 =	sld [smem:$0x3FA1]  }
0x2a: {  	p0 =	seq.s32 s5, $0x0;
	s5 =	sld [smem:$0x3FA2]  }
0x2b: {  	s6 =	sld [smem:$0x3FA3]  }
0x2c: {  	s7 =	sld [smem:$0x3FA4]  }
0x2d: {  	s3 =	simm.s32 $0x108;
	s8 =	sld [smem:$0x3FA5]  }
0x2e: {  	s3 =	simm.s32 @!p0 $0x1082;
	s9 =	sld [smem:$0x3FA6]  }
0x2f: {  	lr =	sadd.s32 s0, s3;
	s0 =	sld [smem:$0x3F9D]  }
0x30: {  	s3 =	sld [smem:$0x3FA0]  }
0x31: {  	[smem:$0x3FA9] =	sst s10  }
0x32: {  	s10 =	sld [smem:$0x3FA7];
	_ =	sdelay $0x3  }
0x33: {  	p0 =	seq.s32 s10, $0x1;
	s10 =	sld [smem:$0x3FA9];
	_ =	sdelay $0x3  }
0x34: {  	[smem:$0x3FA9] =	sst s10  }
0x35: {  	s10 =	sld [smem:$0x3FA8];
	_ =	sdelay $0x3  }
0x36: {  	p1 =	seq.s32 s10, $0x1;
	s10 =	sld [smem:$0x3FA9];
	_ =	sdelay $0x3  }
0x37: {  	[smem:$0x3FA9] =	sst s10  }
0x38: {  	s10 =	sld [smem:$0x3FAA]  }
0x39: {  	_ = 	snop;
	(pc) =	sbr.ind lr, $3  }
0x3a: {  	_ = 	snop  }
0x3b: {  	_ = 	snop  }
0x3c: {  	p2 =	seq.s32 s10, $0x1;
	s10 =	sld [smem:$0x3FA9]  }
0x3d: {  	_ =	shalt  }
0x3e: {  	_ =	shalt  }
0x3f: {  	_ =	shalt  }
0x40: {  	_ =	shalt  }
0x41: {  	_ =	shalt  }
0x42: {  	_ =	shalt  }
0x43: {  	_ =	shalt  }
0x44: {  	_ =	shalt  }
0x45: {  	_ =	shalt  }
0x46: {  	_ =	shalt  }
0x47: {  	_ =	shalt  }
0x48: {  	_ =	shalt  }
0x49: {  	_ =	shalt  }
0x4a: {  	_ =	shalt  }
0x4b: {  	_ =	shalt  }
0x4c: {  	_ =	shalt  }
0x4d: {  	_ =	shalt  }
0x4e: {  	_ =	shalt  }
0x4f: {  	_ =	shalt  }
0x50: {  	_ =	shalt  }
0x51: {  	_ =	shalt  }
0x52: {  	_ =	shalt  }
0x53: {  	_ =	shalt  }
0x54: {  	_ =	shalt  }
0x55: {  	_ =	shalt  }
0x56: {  	_ =	shalt  }
0x57: {  	_ =	shalt  }
0x58: {  	_ =	shalt  }
0x59: {  	_ =	shalt  }
0x5a: {  	_ =	shalt  }
0x5b: {  	_ =	shalt  }
0x5c: {  	_ =	shalt  }
0x5d: {  	_ =	shalt  }
0x5e: {  	_ =	shalt  }
0x5f: {  	_ =	shalt  }
0x60: {  	_ =	shalt  }
0x61: {  	_ =	shalt  }
0x62: {  	_ =	shalt  }
0x63: {  	_ =	shalt  }
0x64: {  	_ =	shalt  }
0x65: {  	_ =	shalt  }
0x66: {  	_ =	shalt  }
0x67: {  	_ =	shalt  }
0x68: {  	_ =	shalt  }
0x69: {  	_ =	shalt  }
0x6a: {  	_ =	shalt  }
0x6b: {  	_ =	shalt  }
0x6c: {  	_ =	shalt  }
0x6d: {  	_ =	shalt  }
0x6e: {  	_ =	shalt  }
0x6f: {  	_ =	shalt  }
0x70: {  	_ =	shalt  }
0x71: {  	_ =	shalt  }
0x72: {  	_ =	shalt  }
0x73: {  	_ =	shalt  }
0x74: {  	_ =	shalt  }
0x75: {  	_ =	shalt  }
0x76: {  	_ =	shalt  }
0x77: {  	_ =	shalt  }
0x78: {  	_ =	shalt  }
0x79: {  	_ =	shalt  }
0x7a: {  	_ =	shalt  }
0x7b: {  	_ =	shalt  }
0x7c: {  	_ =	shalt  }
0x7d: {  	_ =	shalt  }
0x7e: {  	_ =	shalt  }
0x7f: {  	_ =	shalt  }
0x80: {  	_ =	shalt  }
0x81: {  	_ =	shalt  }
0x82: {  	_ =	shalt  }
0x83: {  	_ =	shalt  }
0x84: {  	_ =	shalt  }
0x85: {  	_ =	shalt  }
0x86: {  	_ =	shalt  }
0x87: {  	_ =	shalt  }
.Lfunc_end0:
.L_simem_size_0:
called_computation_lowered:
.L_overlay_start_0:
0x88: {  	s2 =	sld [smem:$0x3FD9]  }
0x89: {  	s3 =	sld [smem:$0x3FFE];
	_ =	sdelay $0x1  }
0x8a: {  	s1 =	srdreg.scid  }
0x8b: {  	s0 =	sand.u32 $0x1, s1  }
0x8c: {  	s17 =	sshll.u32 s0, $0xA;
	s2 =	sadd.s32 s3, s2  }
0x8d: {  	s2 =	sadd.s32 s2, s17  }
0x8e: {  	[smem:$0x3FB5] =	sst s2  }
0x8f: {  	_ = 	snop  }
0x90: {  	s2 =	sld [smem:$0x3FD0];
	(tm) =	ssettm $0x1  }
0x91: {  	s18 =	sld [smem:$0x3FFB];
	_ =	sdelay $0x3  }
0x92: {  	_ =	strace s18  }
0x93: {  	s3 =	sld [smem:$0x3FFC];
	_ =	sdelay $0x3  }
0x94: {  	_ =	strace s3  }
0x95: {  	s3 =	sld [smem:$0x3FFD];
	_ =	sdelay $0x3  }
0x96: {  	_ =	strace s3  }
0x97: {  	_ =	strace $0x8FFFFFFF  }
0x98: {  	s19 =	sld [smem:$0x3FDB];
	_ =	sdelay $0x1  }
0x99: {  	s4 =	simm.s32 $_scs_section_size  }
0x9a: {  	s5 =	simm.s32 $_size__tile_overlayer_lowered;
	s6 =	simm.s32 $_tile_overlayer_lowered  }
0x9b: {  	s22 =	simm.s32 $0x1BFF;
	s21 =	sshll.u32 s6, $0x1;
	s3 =	sadd.s32 s4, s19  }
0x9c: {  	s7 =	simm.s32 $0x0;
	s20 =	sshll.u32 s5, $0x1;
	s5 =	sadd.s32 s21, s3  }
0x9d: {  	[timem:s7], [sflag:s22] =	dma.local [hbm:s5], s20  }
0x9e: {  	_ =	swait.ge [sflag:s22], s20  }
0x9f: {  	s4 =	ssub.s32 $0x0, s20;
	[sflag:s22] =	ssyncset.done $0x0  }
0xa0: {  	[sflag:s22] =	ssyncadd.s32 s4;
	_ =	sdelay $0x1  }
0xa1: {  	s23 =	simm.s32 $0x1B8B  }
0xa2: {  	_ =	swait.ge [sflag:s23], $0x1  }
0xa3: {  	[sflag:s23] =	ssyncset.done $0x0  }
0xa4: {  	s25 =	simm.s32 $0x1B8E;
	s24 =	sld [smem:$0x3FFE];
	[sflag:s23] =	ssyncadd.s32 $0xFFFFFFFF  }
0xa5: {  	s26 =	simm.s32 $execute0_lowered;
	[smem:$0x3FD2] =	sst s25  }
0xa6: {  	s5 =	sshll.u32 s26, $0x1;
	_ =	strace $0x80000046;
	[dreg:$0x1] =	wrdreg $0xFFFFFFFF  }
0xa7: {  	s28 =	simm.s32 $_size_execute0_lowered;
	s3 =	sadd.s32 s3, s5;
	[dreg:$0x0] =	wrdreg $0x0  }
0xa8: {  	s5 =	sshll.u32 s28, $0x1;
	[dreg:$0x2] =	wrdreg s3  }
0xa9: {  	[dreg:$0x3] =	wrdreg s5  }
0xaa: {  	[dreg:$0x4] =	wrdreg $0xC0  }
0xab: {  	_ =	task [dreg:s7], $0x5FFFF  }
0xac: {  	[dreg:$0x1] =	wrdreg $0xFFFFFFFF  }
0xad: {  	[dreg:$0x0] =	wrdreg $0x60  }
0xae: {  	[dreg:$0x2] =	wrdreg s24  }
0xaf: {  	[dreg:$0x3] =	wrdreg s2  }
0xb0: {  	[dreg:$0x4] =	wrdreg $0x50000  }
0xb1: {  	[dreg:$0x5] =	wrdreg $0x9  }
0xb2: {  	_ =	task.clear_ibuf [dreg:s7], $0x6FFFF;
	_ =	strace $0x90000046  }
0xb3: {  	s29 =	simm.s32 $0x9;
	_ =	strace $0x80000048  }
0xb4: {  	_ =	swait.ge [sflag:s29], $0x1  }
0xb5: {  	[sflag:s29] =	ssyncadd.s32 $0xFFFFFFFF  }
0xb6: {  	_ =	strace $0x90000048  }
0xb7: {  	_ =	sfence  }
0xb8: {  	s30 =	sld [smem:$0x0];
	_ =	sdelay $0x2  }
0xb9: {  	s31 =	sshll.u32 s1, $0xD;
	s1 =	sshrl.u32 s1, $0x2  }
0xba: {  	s3 =	sand.u32 $0x4000, s31;
	s1 =	sadd.s32 s1, s30  }
0xbb: {  	s0 =	sor.u32 s3, s0;
	s1 =	sshll.u32 s1, $0x11  }
0xbc: {  	s0 =	sor.u32 s1, s0  }
0xbd: {  	s0 =	sadd.s32 $0x8F2B, s0  }
0xbe: {  	[sflag:s0] =	ssyncadd.remote.s32 $0x1  }
0xbf: {  	_ =	sfence.sel $0xFFFF  }
0xc0: {  	[dreg:$0x0] =	wrdreg $0xFFFFFFFF;
	(pc) =	sbr.abs _section_cstart, $3  }
0xc1: {  	[dreg:$0x1] =	wrdreg $0xFFFFFFFF  }
0xc2: {  	_ =	task.clear_ibuf [dreg:s7], $0x2FFFF;
	_ =	strace $0x9FFFFFFF  }
0xc3: {  	(tm) =	ssettm $0x7FFFFFFF  }
tec
execute0_lowered:
.L_overlay_start_1:
0x0: {  	(tag) =	ssettag $0x1  }
0x1: {  	s5 =	rddreg [dreg:$0x0]  }
0x2: {  	s0 =	srdreg.scid;
	s1 =	rddreg [dreg:$0x1]  }
0x3: {  	s8 =	stileid.u32;
	s2 =	rddreg [dreg:$0x2]  }
0x4: {  	s3 =	simm.s32 $0x0;
	s4 =	sand.u32 $0x1, s0;
	s0 =	rddreg [dreg:$0x3]  }
0x5: {  	s12 =	simm.s32 $0x0;
	s31 =	sshll.u32 s8, $0x1;
	[smem:$0x7FF] =	sst s3  }
0x6: {  	p0 =	sne.s32 s8, $0x0;
	s6 =	sor.u32 s4, s31;
	s7 =	smul.u32 $0x4F0, s4  }
0x7: {  	s8 =	simm.s32 $0x1;
	s9 =	ssub.s32 $0x2, s4;
	s6 =	smul.u32 $0x500, s6  }
0x8: {  	_ =	strace $0x80000047;
	s4 =	sadd.s32 $0xDC00, s5;
	s11 =	sshrl.u32 @!p0 s2, $0x3  }
0x9: {  	s10 =	sshrl.u32 s9, $0x1;
	s7 =	sadd.s32 s7, s5;
	s6 =	sadd.s32 s6, s5  }
0xa: {  	s9 =	ssub.s32 s9, s10;
	s10 =	simm.s32 $0x7D;
	s5 =	sadd.s32 $0x3C00, s6  }
0xb: {  	s6 =	sadd.s32 $0xE200, s7;
	s7 =	smax.u32 s9, $0x1;
	s9 =	simm.s32 $0x2800  }
.LBB2_1:
0xc: {  	[tilespmem:s3], [sflag:$0x1] =	stream.linear.gather [hbm4b:s5+s3], $0x2800, $0x38;
	[tilespmem:$0x5278] =	vst v63  }
0xd: {  	_ =	swait.ge [sflag:s8], $0x2800  }
0xe: {  	[sflag:s8] =	ssyncset.done $0x0  }
0xf: {  	[sflag:s8] =	ssyncadd.s32 $0xFFFFD800  }
0x10: {  	[tilespmem:s9], [sflag:$0x1] =	stream.linear.gather [hbm4b:s1+s3], $0x80, $0x38;
	[tilespmem:$0x5278] =	vst v63  }
0x11: {  	_ =	swait.ge [sflag:s8], $0x80  }
0x12: {  	[sflag:s8] =	ssyncset.done $0x0  }
0x13: {  	s13 =	simm.s32 @!p0 $0x0;
	s14 =	simm.s32 @!p0 $0x2880;
	[sflag:s8] =	ssyncadd.s32 $0xFFFFFF80  }
0x14: {  	[tilespmem:s14], [sflag:$0x1] =	stream.linear.gather @!p0 [hbm4b:s4+s13], $0x2780, $0x38;
	[tilespmem:$0x5278] =	vst v63  }
0x15: {  	s13 =	simm.s32 @!p0 $0x1  }
0x16: {  	_ =	swait.ge @!p0 [sflag:s13], $0x2780  }
0x17: {  	[sflag:s13] =	ssyncset.done @!p0 $0x0  }
0x18: {  	[sflag:s13] =	ssyncadd.s32 @!p0 $0xFFFFD880  }
0x19: {  	[spmem:s2] =	stream.linear.scatter @!p0 [tilespmem:s14], [sflag:$0x1], $0x2780, $0x38;
	[tilespmem:$0x5278] =	vst v63  }
0x1a: {  	_ =	swait.ge @!p0 [sflag:s13], $0x2780  }
0x1b: {  	[sflag:s13] =	ssyncset.done @!p0 $0x0  }
0x1c: {  	[sflag:s13] =	ssyncadd.s32 @!p0 $0xFFFFD880  }
0x1d: {  	s31 =	simm.s32 $0x0;
	[bflag:$0x0] =	sbarrier.arrive $0xFFFF  }
0x1e: {  	[spmem:s2] =	stream.indirect.scatter.add.f32 [tilespmem:s9], [sflag:$0x1], $0x1, s31, s10, $0xb8;
	[tilespmem:$0x5278] =	vst v63  }
0x1f: {  	_ =	swait.ge [sflag:s8], $0x7D  }
0x20: {  	s13 =	simm.s32 $0x200;
	[sflag:s8] =	ssyncset.done $0x0  }
.LBB2_2:
0x21: {  	s14 =	sshra.s32 s13, $0x2;
	[sflag:s8] =	ssyncadd.s32 $0xFFFFFF83;
	p1 =	sne.s32 s13, $0x9E00  }
0x22: {  	[spmem:s2] =	stream.indirect.scatter.add.f32 [tilespmem:s9], [sflag:$0x1], $0x1, s14, s10, $0xb8;
	[tilespmem:$0x5278] =	vst v63  }
.Ltmp0:
0x23: {  	_ = 	snop;
	(pc) =	sbr.rel @p1 .LBB2_2-.Ltmp0, $4  }
0x24: {  	_ = 	snop  }
0x25: {  	s13 =	sadd.s32 $0x200, s13  }
0x26: {  	_ =	swait.ge [sflag:s8], $0x7D  }
0x27: {  	[sflag:s8] =	ssyncset.done $0x0  }
0x28: {  	[sflag:s8] =	ssyncadd.s32 $0xFFFFFF83;
	s12 =	sadd.s32 $0x1, s12  }
0x29: {  	s13 =	simm.s32 @!p0 $0x1C01;
	[bflag:$0x0] =	sbarrier.arrive $0xFFFF;
	p1 =	sne.s32 s12, s7  }
0x2a: {  	[hbm:s6], [sflag:s13] =	dma.local @!p0 [spmem:s11], $0x4F0  }
.Ltmp1:
0x2b: {  	_ = 	snop;
	(pc) =	sbr.rel @p1 .LBB2_1-.Ltmp1, $4  }
0x2c: {  	s13 =	simm.s32 @!p0 $0x1  }
0x2d: {  	_ =	swait.ge @!p0 [sflag:s13], $0x4F0  }
0x2e: {  	[sflag:s13] =	ssyncset.done @!p0 $0x0  }
0x2f: {  	[sflag:s13] =	ssyncadd.s32 @!p0 $0xFFFFFB10  }
0x30: {  	_ =	sfence.sel $0x180000  }
0x31: {  	[bflag:$0x0] =	sbarrier.arrive $0xFFFF  }
0x32: {  	_ =	strace $0x90000047  }
0x33: {  	s0 =	sadd.s32 @!p0 $0x100000, s0;
	[bflag:$0x2] =	sbarrier.arrive $0xFFFF  }
0x34: {  	[sflag:s0] =	ssyncadd.tile.s32 @!p0 $0x1;
	_ =	shalt  }
.Lfunc_end2:
_tile_overlayer_lowered:
.L_overlay_start_2:
0x35: {  	(tag) =	ssettag $0x2  }
0x36: {  	s0 =	rddreg [dreg:$0x0];
	s2 =	stileid.u32  }
0x37: {  	s1 =	rddreg [dreg:$0x1];
	p0 =	sne.s32 s2, $0x0  }
0x38: {  	s3 =	rddreg [dreg:$0x2];
	[bflag:$0x3] =	sbarrier.arrive $0xFFFF;
	s2 =	simm.s32 @!p0 $0x1C01  }
0x39: {  	[timem:s3], [sflag:s2] =	dma.local @!p0 [hbm:s0], s1  }
0x3a: {  	s0 =	simm.s32 @!p0 $0x1  }
0x3b: {  	_ =	swait.ge @!p0 [sflag:s0], s1  }
0x3c: {  	s1 =	ssub.s32 @!p0 $0x0, s1;
	[sflag:s0] =	ssyncset.done @!p0 $0x0  }
0x3d: {  	[sflag:s0] =	ssyncadd.s32 @!p0 s1  }
0x3e: {  	[bflag:$0x3] =	sbarrier.arrive $0xFFFF  }
0x3f: {  	_ =	shalt  }

</sc_bundles>
